<compile_context>
chip_gen: v7x
topology: tpu7x:2x2x1
jax: 0.10.2.dev20260603
libtpu: 0.0.44.dev20260713+nightly
codegen_flags: <defaults>
</compile_context>

<pallas_src>
import functools
import numpy as np
import jax
import jax.numpy as jnp
from jax import lax
from jax.experimental import pallas as pl
from jax.experimental.pallas import tpu as pltpu
from jax.experimental.pallas import tpu_sc as plsc

N = 10000
E = 320000
D = 128
C = 32
DIR = 4
NW = 64
DMID = 256
AVG_NEIGH = 32.0

NT = 16
EB = 80
EPT = E // NT
NCH = EPT // EB
NPAD = 10112
ROWS_PT = NPAD // NT
ZR = 79

_PCOL_UP = np.array([(t % 32) * 4 + t // 32 for t in range(D)], dtype=np.int32)
_PROW_DN = np.array(
    [((t // 128) * 32 + t % 32) * 4 + (t % 128) // 32 for t in range(DMID)],
    dtype=np.int32,
)
_QCOL = np.concatenate(
    [np.arange(128), 128 + 2 * np.arange(64), 129 + 2 * np.arange(64)]
).astype(np.int32)


def _up_body(nf_ref, w_ref, o_ref):
    o_ref[...] = jnp.dot(nf_ref[...], w_ref[...],
                         preferred_element_type=jnp.float32)


def _linear_up(nf, w_up_p):
    bn = 1000
    return pl.pallas_call(
        _up_body,
        grid=(N // bn,),
        in_specs=[
            pl.BlockSpec((bn, D), lambda i: (i, 0)),
            pl.BlockSpec((D, D), lambda i: (0, 0)),
        ],
        out_specs=pl.BlockSpec((bn, D), lambda i: (i, 0)),
        out_shape=jax.ShapeDtypeStruct((N, D), jnp.float32),
    )(nf, w_up_p)


def _edge_prep_body(ele_ref, ef_ref, wr1_ref, wr2_ref, cg2_ref, p_ref):
    hid = jnp.dot(ele_ref[...], wr1_ref[...],
                  preferred_element_type=jnp.float32)
    hid = hid * jax.nn.sigmoid(hid)
    w = jnp.dot(hid, wr2_ref[...], preferred_element_type=jnp.float32)
    m = jnp.dot(ef_ref[...], cg2_ref[...], preferred_element_type=jnp.float32)
    p_ref[...] = jnp.concatenate([w, m], axis=1)


def _edge_prep(ele, ef, w_r1, w_r2, cg2):
    be = 8000
    return pl.pallas_call(
        _edge_prep_body,
        grid=(E // be,),
        in_specs=[
            pl.BlockSpec((be, 8), lambda i: (i, 0)),
            pl.BlockSpec((be, 4), lambda i: (i, 0)),
            pl.BlockSpec((8, 8), lambda i: (0, 0)),
            pl.BlockSpec((8, NW), lambda i: (0, 0)),
            pl.BlockSpec((4, 16), lambda i: (0, 0)),
        ],
        out_specs=pl.BlockSpec((be, 80), lambda i: (i, 0)),
        out_shape=jax.ShapeDtypeStruct((E, 80), jnp.float32),
    )(ele, ef, w_r1, w_r2, cg2)


@functools.lru_cache(maxsize=None)
def _make_edge_kernel():
    return functools.partial(
        pl.kernel,
        mesh=plsc.VectorSubcoreMesh(core_axis_name="c", subcore_axis_name="s"),
        out_type=jax.ShapeDtypeStruct((2, NPAD, 128), jnp.float32),
        scratch_types=[
            pltpu.VMEM((2, EB), jnp.int32),
            pltpu.VMEM((2, EB), jnp.int32),
            pltpu.VMEM((EB * 80,), jnp.float32),
            pltpu.VMEM((2, EB, 128), jnp.float32),
            pltpu.VMEM((EB, 128), jnp.float32),
            pltpu.VMEM((ZR, 128), jnp.float32),
            pltpu.VMEM_SHARED((NPAD, 128), jnp.float32),
            pltpu.SemaphoreType.DMA,
            pltpu.SemaphoreType.DMA,
        ],
    )(_edge_body)


def _edge_body(h_hbm, snd_hbm, rcv_hbm, p_hbm, out_hbm,
               snd2_v, rcv2_v, p_v, msg2_v, o_v, z_v, agg_sh,
               sem_g, sem_s):
    cid = lax.axis_index("c")
    sid = lax.axis_index("s")

    zero16 = jnp.zeros((16,), jnp.float32)

    def zrow(r, carry):
        for v in range(8):
            z_v[r, pl.ds(v * 16, 16)] = zero16
        return carry

    lax.fori_loop(0, ZR, zrow, 0)
    rbase = sid * ROWS_PT

    def zcopy(zi, carry):
        pltpu.sync_copy(z_v, agg_sh.at[pl.ds(rbase + zi * ZR, ZR)])
        return carry

    lax.fori_loop(0, ROWS_PT // ZR, zcopy, 0)
    plsc.subcore_barrier()

    ebase = sid * EPT

    pltpu.sync_copy(snd_hbm.at[pl.ds(ebase, EB)], snd2_v.at[0])
    pltpu.async_copy(h_hbm.at[snd2_v.at[0]], msg2_v.at[0], sem_g)

    def chunk(ch, carry):
        par = lax.rem(ch, 2)
        nxt = 1 - par
        eb = ebase + ch * EB

        @pl.when(ch + 1 < NCH)
        def _():
            ebn = eb + EB
            pltpu.sync_copy(snd_hbm.at[pl.ds(ebn, EB)], snd2_v.at[nxt])
            pltpu.async_copy(h_hbm.at[snd2_v.at[nxt]], msg2_v.at[nxt], sem_g)

        pltpu.sync_copy(p_hbm.at[pl.ds(eb * 80, EB * 80)], p_v)
        pltpu.sync_copy(rcv_hbm.at[pl.ds(eb, EB)], rcv2_v.at[par])
        pltpu.make_async_copy(h_hbm.at[snd2_v.at[par]], msg2_v.at[par],
                              sem_g).wait()

        @pl.when(ch > 0)
        def _():
            pltpu.make_async_copy(o_v, agg_sh.at[rcv2_v.at[nxt]],
                                  sem_s).wait()

        def make_edge(CC):
            def edge(jh):
                for j2 in range(2):
                    j = jh * 2 + j2
                    w1a = p_v[pl.ds(j * 80, 16)]
                    w1b = p_v[pl.ds(j * 80 + 16, 16)]
                    w2a = p_v[pl.ds(j * 80 + 32, 16)]
                    w2b = p_v[pl.ds(j * 80 + 48, 16)]
                    m16 = p_v[pl.ds(j * 80 + 64, 16)]
                    mrow = [msg2_v[par, j, pl.ds(v * 16, 16)]
                            for v in range(8)]
                    for u in range(4):
                        v = CC * 4 + (u // 2) * 2 + (u % 2)
                        wv = w1a if u % 2 == 0 else w1b
                        o_v[j, pl.ds(u * 16, 16)] = mrow[v] * wv
                    for u in range(4, 8):
                        kl = (u - 4) // 2
                        h = u % 2
                        mb = CC * 8 + kl * 4
                        acc = mrow[h] * jnp.broadcast_to(m16[mb], (16,))
                        for i in range(1, 4):
                            acc = acc + mrow[i * 2 + h] * jnp.broadcast_to(
                                m16[mb + i], (16,))
                        wv = w2a if h == 0 else w2b
                        o_v[j, pl.ds(u * 16, 16)] = acc * wv
            return edge

        @pl.when(cid == 0)
        def _():
            plsc.parallel_loop(0, EB // 2, 1, unroll=2)(make_edge(0))

        @pl.when(cid == 1)
        def _():
            plsc.parallel_loop(0, EB // 2, 1, unroll=2)(make_edge(1))

        pltpu.async_copy(o_v, agg_sh.at[rcv2_v.at[par]], sem_s, add=True)
        return carry

    lax.fori_loop(0, NCH, chunk, 0)
    pltpu.make_async_copy(o_v, agg_sh.at[rcv2_v.at[(NCH - 1) % 2]],
                          sem_s).wait()
    plsc.subcore_barrier()
    pltpu.sync_copy(agg_sh.at[pl.ds(rbase, ROWS_PT)],
                    out_hbm.at[cid, pl.ds(rbase, ROWS_PT)])


def _final_body(agg_ref, wd_ref, wsc_ref, oh_ref, o_ref):
    flat = agg_ref[...] * jnp.float32(1.0 / np.sqrt(AVG_NEIGH))
    hdn = jnp.dot(flat, wd_ref[...], preferred_element_type=jnp.float32)
    sc = oh_ref[:, 0:1] * jnp.dot(hdn, wsc_ref[0],
                                  preferred_element_type=jnp.float32)
    for s in range(1, 4):
        sc = sc + oh_ref[:, s:s + 1] * jnp.dot(
            hdn, wsc_ref[s], preferred_element_type=jnp.float32)
    hdn = hdn + sc
    scal = hdn[:, :NW]
    gates = hdn[:, NW:2 * NW]
    gsil = gates * jax.nn.sigmoid(gates)
    o_ref[:, :NW] = scal * jax.nn.sigmoid(scal)
    o_ref[:, NW:2 * NW] = hdn[:, 2 * NW:3 * NW] * gsil
    o_ref[:, 2 * NW:3 * NW] = hdn[:, 3 * NW:4 * NW] * gsil


def _finalize(agg_t, wd_pq, wsc_q, onehot):
    bn = 1000
    return pl.pallas_call(
        _final_body,
        grid=(N // bn,),
        in_specs=[
            pl.BlockSpec((bn, DMID), lambda i: (i, 0)),
            pl.BlockSpec((DMID, DMID), lambda i: (0, 0)),
            pl.BlockSpec((4, DMID, DMID), lambda i: (0, 0, 0)),
            pl.BlockSpec((bn, 4), lambda i: (i, 0)),
        ],
        out_specs=pl.BlockSpec((bn, 3 * NW), lambda i: (i, 0)),
        out_shape=jax.ShapeDtypeStruct((N, 3 * NW), jnp.float32),
    )(agg_t, wd_pq, wsc_q, onehot)


def _perm_cols_t(w):
    return w.reshape(-1, 32, 4).transpose(0, 2, 1).reshape(w.shape[0], 128)


def _perm_rows_dn(w):
    v = w.reshape(2, 2, 16, 2, 2, w.shape[1])
    v = jnp.transpose(v, (3, 0, 4, 1, 2, 5))
    return v.reshape(w.shape[0], w.shape[1])


def _perm_cols_q(w):
    ns = w[..., 128:].reshape(*w.shape[:-1], 64, 2)
    ns = jnp.swapaxes(ns, -1, -2).reshape(*w.shape[:-1], 128)
    return jnp.concatenate([w[..., :128], ns], axis=-1)


def _perm_rows_q(w):
    ns = w[..., 128:, :].reshape(*w.shape[:-2], 64, 2, w.shape[-1])
    ns = jnp.swapaxes(ns, -2, -3).reshape(*w.shape[:-2], 128, w.shape[-1])
    return jnp.concatenate([w[..., :128, :], ns], axis=-2)


def kernel(node_features, edge_features, edge_length_embeddings, senders,
           receivers, node_species, W_up, cg, W_r1, W_r2, W_down, W_sc):
    w_up_p = _perm_cols_t(W_up)
    cg2 = jnp.transpose(cg, (1, 2, 0)).reshape(4, 16)
    wd_pq = _perm_cols_q(_perm_rows_dn(W_down))
    wsc_q = _perm_cols_q(_perm_rows_q(W_sc))
    onehot = (node_species[:, None] == jnp.arange(4)[None, :]).astype(
        jnp.float32)

    h_t = _linear_up(node_features, w_up_p)
    p2 = _edge_prep(edge_length_embeddings, edge_features, W_r1, W_r2, cg2)
    agg2 = _make_edge_kernel()(h_t, senders.astype(jnp.int32),
                               receivers.astype(jnp.int32),
                               p2.reshape(E * 80))
    agg_t = jnp.concatenate([agg2[0, :N], agg2[1, :N]], axis=1)

    o = _finalize(agg_t, wd_pq, wsc_q, onehot)
    out = jnp.concatenate(
        [o[:, :NW],
         jnp.stack([o[:, NW:2 * NW], o[:, 2 * NW:]], axis=-1).reshape(
             N, 2 * NW)],
        axis=1)
    return out

# --- scband reference (transcript-rebuilt; emitter-appended) ---
"""Pipeline reference for scband-interaction-block-61753039782727 (READ-ONLY COPY).

The authoritative reference and input builder live on the scoring server;
editing this copy changes nothing except your own understanding.
"""

import jax, jax.numpy as jnp
import numpy as np

N = 10000
E = 320000
D = 128      # node feature dim = C * DIR
C = 32       # irrep channels
DIR = 4      # per-channel irrep dim (0e + 1o)
DSH = 4      # edge spherical-harmonic dim (0e + 1o)
NR = 8       # radial basis / radial MLP width
NW = 64      # message channels after concat (2*C), one radial weight each
DMID = 256   # flattened message dim = NW * DIR
NSPECIES = 4
AVG_NEIGH = 32.0


def setup_inputs(seed: int = 0) -> dict:
    key = jax.random.key(seed)
    ks = jax.random.split(key, 12)
    node_features = jax.random.normal(ks[0], (N, D), dtype=jnp.float32)
    edge_features = jax.random.normal(ks[1], (E, DSH), dtype=jnp.float32)
    edge_length_embeddings = jax.random.uniform(ks[2], (E, NR), dtype=jnp.float32)
    senders = jax.random.randint(ks[3], (E,), 0, N)
    receivers = jax.random.randint(ks[4], (E,), 0, N)
    node_species = jax.random.randint(ks[5], (N,), 0, NSPECIES)
    W_up = jax.random.normal(ks[6], (D, D), dtype=jnp.float32) / np.sqrt(D)
    cg = jax.random.normal(ks[7], (DIR, DSH, DIR), dtype=jnp.float32) / np.sqrt(DIR * DSH)
    W_r1 = jax.random.normal(ks[8], (NR, NR), dtype=jnp.float32) / np.sqrt(NR)
    W_r2 = jax.random.normal(ks[9], (NR, NW), dtype=jnp.float32) / np.sqrt(NR)
    W_down = jax.random.normal(ks[10], (DMID, DMID), dtype=jnp.float32) / np.sqrt(DMID)
    W_sc = jax.random.normal(ks[11], (NSPECIES, DMID, DMID), dtype=jnp.float32) / np.sqrt(DMID)
    return {
        'node_features': node_features,
        'edge_features': edge_features,
        'edge_length_embeddings': edge_length_embeddings,
        'senders': senders,
        'receivers': receivers,
        'node_species': node_species,
        'W_up': W_up,
        'cg': cg,
        'W_r1': W_r1,
        'W_r2': W_r2,
        'W_down': W_down,
        'W_sc': W_sc,
    }


def reference(node_features, edge_features, edge_length_embeddings, senders,
              receivers, node_species, W_up, cg, W_r1, W_r2, W_down, W_sc):
    n = node_features.shape[0]
    # linear_up on nodes
    h = node_features @ W_up                                   # [N, D]
    # gather to edges (message from senders), view as channels x irrep-dim
    msg = jnp.take(h, senders, axis=0).reshape(-1, C, DIR)     # [E, C, DIR]
    # channel-wise tensor product with edge SH, contracted through CG-like tensor
    tp = jnp.einsum('eci,ej,ijk->eck', msg, edge_features, cg) # [E, C, DIR]
    # concatenate original messages with tensor-product features
    m = jnp.concatenate([msg, tp], axis=1)                     # [E, NW, DIR]
    # radial MLP (no bias, swish hidden) producing per-channel edge weights
    hid = jax.nn.silu(edge_length_embeddings @ W_r1)           # [E, NR]
    w = hid @ W_r2                                             # [E, NW]
    m = m * w[:, :, None]
    # scatter-sum messages to receiver nodes
    agg = jnp.zeros((n, NW, DIR), dtype=m.dtype).at[receivers].add(m)
    agg = agg / jnp.sqrt(AVG_NEIGH)
    # linear_down
    flat = agg.reshape(n, DMID)
    hdn = flat @ W_down                                        # [N, DMID]
    # species-indexed self connection
    sc = jnp.einsum('nd,ndo->no', hdn, jnp.take(W_sc, node_species, axis=0))
    hdn = hdn + sc
    # gate nonlinearity: scalars | gates | gated non-scalars
    scalars = hdn[:, :NW]
    gates = hdn[:, NW:2 * NW]
    nonscalar = hdn[:, 2 * NW:].reshape(n, NW, 2)
    out = jnp.concatenate(
        [jax.nn.silu(scalars),
         (nonscalar * jax.nn.silu(gates)[:, :, None]).reshape(n, 2 * NW)],
        axis=1)                                                # [N, 192]
    return out

if __name__ == "__main__":
    import jax
    _d = setup_inputs()
    print(jax.jit(kernel)(*tuple(_d.values())))

</pallas_src>

<mosaic_0001>
#map = affine_map<(d0, d1) -> (0, 0)>
#map1 = affine_map<(d0, d1) -> (0)>
#map2 = affine_map<(d0, d1) -> (0, 0, 0)>
module attributes {stable_mosaic.version = 14 : i64} {
  func.func @_edge_body(%arg0: i32, %arg1: i32, %arg2: memref<10000x128xf32, #tpu.memory_space<hbm>>, %arg3: memref<320000xi32, #tpu.memory_space<hbm>>, %arg4: memref<320000xi32, #tpu.memory_space<hbm>>, %arg5: memref<25600000xf32, #tpu.memory_space<hbm>>, %arg6: memref<2x10112x128xf32, #tpu.memory_space<hbm>>, %arg7: memref<2x80xi32, #tpu.memory_space<vmem>>, %arg8: memref<2x80xi32, #tpu.memory_space<vmem>>, %arg9: memref<6400xf32, #tpu.memory_space<vmem>>, %arg10: memref<2x80x128xf32, #tpu.memory_space<vmem>>, %arg11: memref<80x128xf32, #tpu.memory_space<vmem>>, %arg12: memref<79x128xf32, #tpu.memory_space<vmem>>, %arg13: memref<10112x128xf32, #tpu.memory_space<vmem_shared>>, %arg14: memref<!tpu.dma_semaphore, #tpu.memory_space<semaphore_mem>>, %arg15: memref<!tpu.dma_semaphore, #tpu.memory_space<semaphore_mem>>) attributes {dimension_semantics = [#tpu.dimension_semantics<core_parallel>, #tpu.dimension_semantics<subcore_parallel>], iteration_bounds = array<i64: 2, 16>, scalar_prefetch = 0 : i64, scratch_operands = 9 : i64, tpu.core_type = #tpu.core_type<sc_vector_subcore>, window_params = [{transform_indices = #map}, {transform_indices = #map1}, {transform_indices = #map1}, {transform_indices = #map1}, {transform_indices = #map2}]} {
    %broadcast_in_dim3A = arith.constant 0.000000e+00 : f32
    %broadcast_in_dim3A_0 = vector.broadcast %broadcast_in_dim3A : f32 to vector<16xf32>
    %scan3A = arith.constant 0 : i32
    %scan3A_1 = arith.constant 0 : i32
    %scan3A_2 = arith.constant 79 : i32
    %scan3A_3 = arith.addi %scan3A_1, %scan3A_2 : i32
    %scan3A_4 = arith.constant 1 : i32
    scf.for %scan3A_39 = %scan3A_1 to %scan3A_3 step %scan3A_4  : i32 {
      %swap3A = arith.index_cast %scan3A_39 : i32 to index
      %swap3A_40 = arith.constant 0 : index
      %swap3A_41 = tpu.vector_load %arg12[%swap3A, %swap3A_40] {strides = array<i32>} : memref<79x128xf32, #tpu.memory_space<vmem>>, vector<1x16xf32>,
      %swap3A_42 = vector.shape_cast %swap3A_41 : vector<1x16xf32> to vector<16xf32>
      %swap3A_43 = vector.shape_cast %broadcast_in_dim3A_0 : vector<16xf32> to vector<1x16xf32>
      tpu.vector_store %arg12[%swap3A, %swap3A_40], %swap3A_43 {strides = array<i32>} : memref<79x128xf32, #tpu.memory_space<vmem>>, vector<1x16xf32>,
      %swap3A_44 = arith.index_cast %scan3A_39 : i32 to index
      %swap3A_45 = arith.constant 16 : index
      %swap3A_46 = tpu.vector_load %arg12[%swap3A_44, %swap3A_45] {strides = array<i32>} : memref<79x128xf32, #tpu.memory_space<vmem>>, vector<1x16xf32>,
      %swap3A_47 = vector.shape_cast %swap3A_46 : vector<1x16xf32> to vector<16xf32>
      %swap3A_48 = vector.shape_cast %broadcast_in_dim3A_0 : vector<16xf32> to vector<1x16xf32>
      tpu.vector_store %arg12[%swap3A_44, %swap3A_45], %swap3A_48 {strides = array<i32>} : memref<79x128xf32, #tpu.memory_space<vmem>>, vector<1x16xf32>,
      %swap3A_49 = arith.index_cast %scan3A_39 : i32 to index
      %swap3A_50 = arith.constant 32 : index
      %swap3A_51 = tpu.vector_load %arg12[%swap3A_49, %swap3A_50] {strides = array<i32>} : memref<79x128xf32, #tpu.memory_space<vmem>>, vector<1x16xf32>,
      %swap3A_52 = vector.shape_cast %swap3A_51 : vector<1x16xf32> to vector<16xf32>
      %swap3A_53 = vector.shape_cast %broadcast_in_dim3A_0 : vector<16xf32> to vector<1x16xf32>
      tpu.vector_store %arg12[%swap3A_49, %swap3A_50], %swap3A_53 {strides = array<i32>} : memref<79x128xf32, #tpu.memory_space<vmem>>, vector<1x16xf32>,
      %swap3A_54 = arith.index_cast %scan3A_39 : i32 to index
      %swap3A_55 = arith.constant 48 : index
      %swap3A_56 = tpu.vector_load %arg12[%swap3A_54, %swap3A_55] {strides = array<i32>} : memref<79x128xf32, #tpu.memory_space<vmem>>, vector<1x16xf32>,
      %swap3A_57 = vector.shape_cast %swap3A_56 : vector<1x16xf32> to vector<16xf32>
      %swap3A_58 = vector.shape_cast %broadcast_in_dim3A_0 : vector<16xf32> to vector<1x16xf32>
      tpu.vector_store %arg12[%swap3A_54, %swap3A_55], %swap3A_58 {strides = array<i32>} : memref<79x128xf32, #tpu.memory_space<vmem>>, vector<1x16xf32>,
      %swap3A_59 = arith.index_cast %scan3A_39 : i32 to index
      %swap3A_60 = arith.constant 64 : index
      %swap3A_61 = tpu.vector_load %arg12[%swap3A_59, %swap3A_60] {strides = array<i32>} : memref<79x128xf32, #tpu.memory_space<vmem>>, vector<1x16xf32>,
      %swap3A_62 = vector.shape_cast %swap3A_61 : vector<1x16xf32> to vector<16xf32>
      %swap3A_63 = vector.shape_cast %broadcast_in_dim3A_0 : vector<16xf32> to vector<1x16xf32>
      tpu.vector_store %arg12[%swap3A_59, %swap3A_60], %swap3A_63 {strides = array<i32>} : memref<79x128xf32, #tpu.memory_space<vmem>>, vector<1x16xf32>,
      %swap3A_64 = arith.index_cast %scan3A_39 : i32 to index
      %swap3A_65 = arith.constant 80 : index
      %swap3A_66 = tpu.vector_load %arg12[%swap3A_64, %swap3A_65] {strides = array<i32>} : memref<79x128xf32, #tpu.memory_space<vmem>>, vector<1x16xf32>,
      %swap3A_67 = vector.shape_cast %swap3A_66 : vector<1x16xf32> to vector<16xf32>
      %swap3A_68 = vector.shape_cast %broadcast_in_dim3A_0 : vector<16xf32> to vector<1x16xf32>
      tpu.vector_store %arg12[%swap3A_64, %swap3A_65], %swap3A_68 {strides = array<i32>} : memref<79x128xf32, #tpu.memory_space<vmem>>, vector<1x16xf32>,
      %swap3A_69 = arith.index_cast %scan3A_39 : i32 to index
      %swap3A_70 = arith.constant 96 : index
      %swap3A_71 = tpu.vector_load %arg12[%swap3A_69, %swap3A_70] {strides = array<i32>} : memref<79x128xf32, #tpu.memory_space<vmem>>, vector<1x16xf32>,
      %swap3A_72 = vector.shape_cast %swap3A_71 : vector<1x16xf32> to vector<16xf32>
      %swap3A_73 = vector.shape_cast %broadcast_in_dim3A_0 : vector<16xf32> to vector<1x16xf32>
      tpu.vector_store %arg12[%swap3A_69, %swap3A_70], %swap3A_73 {strides = array<i32>} : memref<79x128xf32, #tpu.memory_space<vmem>>, vector<1x16xf32>,
      %swap3A_74 = arith.index_cast %scan3A_39 : i32 to index
      %swap3A_75 = arith.constant 112 : index
      %swap3A_76 = tpu.vector_load %arg12[%swap3A_74, %swap3A_75] {strides = array<i32>} : memref<79x128xf32, #tpu.memory_space<vmem>>, vector<1x16xf32>,
      %swap3A_77 = vector.shape_cast %swap3A_76 : vector<1x16xf32> to vector<16xf32>
      %swap3A_78 = vector.shape_cast %broadcast_in_dim3A_0 : vector<16xf32> to vector<1x16xf32>
      tpu.vector_store %arg12[%swap3A_74, %swap3A_75], %swap3A_78 {strides = array<i32>} : memref<79x128xf32, #tpu.memory_space<vmem>>, vector<1x16xf32>,
    }
    %scan3A_5 = arith.constant 79 : i32
    %mul3A = arith.constant 632 : i32
    %mul3A_6 = arith.muli %arg1, %mul3A : i32
    %scan3A_7 = arith.constant 0 : i32
    %scan3A_8 = arith.constant 0 : i32
    %scan3A_9 = arith.constant 8 : i32
    %scan3A_10 = arith.addi %scan3A_8, %scan3A_9 : i32
    %scan3A_11 = arith.constant 1 : i32
    scf.for %scan3A_39 = %scan3A_8 to %scan3A_10 step %scan3A_11  : i32 {
      %mul3A_40 = arith.constant 79 : i32
      %mul3A_41 = arith.muli %scan3A_39, %mul3A_40 : i32
      %add3A = arith.addi %mul3A_6, %mul3A_41 : i32
      "tpu.region"() ({
        %run_scoped3A_42 = tpu.sem_alloc : memref<!tpu.dma_semaphore, #tpu.memory_space<semaphore_mem>>
        %dma_start3A_43 = arith.constant 0 : i32
        %dma_start3A_44 = tpu.memref_slice %arg13[%add3A, %dma_start3A_43] : memref<10112x128xf32, #tpu.memory_space<vmem_shared>> -> memref<79x128xf32, #tpu.memory_space<vmem_shared>>
        %dma_start3A_45 = arith.constant 0 : i32
        %dma_start3A_46 = tpu.memref_slice %arg13[%add3A, %dma_start3A_45] : memref<10112x128xf32, #tpu.memory_space<vmem_shared>> -> memref<79x128xf32, #tpu.memory_space<vmem_shared>>
        tpu.enqueue_dma source(%arg12 : memref<79x128xf32, #tpu.memory_space<vmem>>) target(%dma_start3A_46 : memref<79x128xf32, #tpu.memory_space<vmem_shared>>) target_semaphore(%run_scoped3A_42 : memref<!tpu.dma_semaphore, #tpu.memory_space<semaphore_mem>>)
        %dma_wait3A_47 = arith.constant 0 : i32
        %dma_wait3A_48 = tpu.memref_slice %arg13[%add3A, %dma_wait3A_47] : memref<10112x128xf32, #tpu.memory_space<vmem_shared>> -> memref<79x128xf32, #tpu.memory_space<vmem_shared>>
        %dma_wait3A_49 = arith.constant 0 : i32
        %dma_wait3A_50 = tpu.memref_slice %arg13[%add3A, %dma_wait3A_49] : memref<10112x128xf32, #tpu.memory_space<vmem_shared>> -> memref<79x128xf32, #tpu.memory_space<vmem_shared>>
        tpu.wait_dma2 semaphore(%run_scoped3A_42 : memref<!tpu.dma_semaphore, #tpu.memory_space<semaphore_mem>>) src(%arg12 : memref<79x128xf32, #tpu.memory_space<vmem>>) dst(%dma_wait3A_50 : memref<79x128xf32, #tpu.memory_space<vmem_shared>>)
        tpu.yield
      }) : () -> ()
    }
    %scan3A_12 = arith.constant 8 : i32
    %barrier3A = arith.constant 0 : index
    tpu.barrier barrier_id(%barrier3A)
    %mul3A_13 = arith.constant 20000 : i32
    %mul3A_14 = arith.muli %arg1, %mul3A_13 : i32
    %run_scoped3A = arith.constant 0 : i32
    "tpu.region"() ({
      %run_scoped3A_39 = tpu.sem_alloc : memref<!tpu.dma_semaphore, #tpu.memory_space<semaphore_mem>>
      %dma_start3A_40 = arith.constant 0 : i32
      %dma_start3A_41 = tpu.memref_slice %arg7[%run_scoped3A, %dma_start3A_40] : memref<2x80xi32, #tpu.memory_space<vmem>> -> memref<1x80xi32, #tpu.memory_space<vmem>>
      %dma_start3A_42 = tpu.memref_squeeze %dma_start3A_41 : memref<1x80xi32, #tpu.memory_space<vmem>> -> memref<80xi32, #tpu.memory_space<vmem>>
      %dma_start3A_43 = tpu.memref_slice %arg3[%mul3A_14] : memref<320000xi32, #tpu.memory_space<hbm>> -> memref<80xi32, #tpu.memory_space<hbm>>
      %dma_start3A_44 = arith.constant 0 : i32
      %dma_start3A_45 = tpu.memref_slice %arg7[%run_scoped3A, %dma_start3A_44] : memref<2x80xi32, #tpu.memory_space<vmem>> -> memref<1x80xi32, #tpu.memory_space<vmem>>
      %dma_start3A_46 = tpu.memref_squeeze %dma_start3A_45 : memref<1x80xi32, #tpu.memory_space<vmem>> -> memref<80xi32, #tpu.memory_space<vmem>>
      %dma_start3A_47 = tpu.memref_slice %arg3[%mul3A_14] : memref<320000xi32, #tpu.memory_space<hbm>> -> memref<80xi32, #tpu.memory_space<hbm>>
      tpu.enqueue_dma source(%dma_start3A_47 : memref<80xi32, #tpu.memory_space<hbm>>) target(%dma_start3A_46 : memref<80xi32, #tpu.memory_space<vmem>>) target_semaphore(%run_scoped3A_39 : memref<!tpu.dma_semaphore, #tpu.memory_space<semaphore_mem>>)
      %dma_wait3A_48 = arith.constant 0 : i32
      %dma_wait3A_49 = tpu.memref_slice %arg7[%run_scoped3A, %dma_wait3A_48] : memref<2x80xi32, #tpu.memory_space<vmem>> -> memref<1x80xi32, #tpu.memory_space<vmem>>
      %dma_wait3A_50 = tpu.memref_squeeze %dma_wait3A_49 : memref<1x80xi32, #tpu.memory_space<vmem>> -> memref<80xi32, #tpu.memory_space<vmem>>
      %dma_wait3A_51 = tpu.memref_slice %arg3[%mul3A_14] : memref<320000xi32, #tpu.memory_space<hbm>> -> memref<80xi32, #tpu.memory_space<hbm>>
      %dma_wait3A_52 = arith.constant 0 : i32
      %dma_wait3A_53 = tpu.memref_slice %arg7[%run_scoped3A, %dma_wait3A_52] : memref<2x80xi32, #tpu.memory_space<vmem>> -> memref<1x80xi32, #tpu.memory_space<vmem>>
      %dma_wait3A_54 = tpu.memref_squeeze %dma_wait3A_53 : memref<1x80xi32, #tpu.memory_space<vmem>> -> memref<80xi32, #tpu.memory_space<vmem>>
      %dma_wait3A_55 = tpu.memref_slice %arg3[%mul3A_14] : memref<320000xi32, #tpu.memory_space<hbm>> -> memref<80xi32, #tpu.memory_space<hbm>>
      tpu.wait_dma2 semaphore(%run_scoped3A_39 : memref<!tpu.dma_semaphore, #tpu.memory_space<semaphore_mem>>) src(%dma_wait3A_55 : memref<80xi32, #tpu.memory_space<hbm>>) dst(%dma_wait3A_54 : memref<80xi32, #tpu.memory_space<vmem>>)
      tpu.yield
    }) : () -> ()
    %dma_start3A = arith.constant 0 : i32
    %dma_start3A_15 = arith.constant 0 : i32
    %dma_start3A_16 = arith.constant 0 : i32
    %dma_start3A_17 = arith.constant 0 : i32
    %dma_start3A_18 = tpu.memref_slice %arg10[%dma_start3A_15, %dma_start3A_16, %dma_start3A_17] : memref<2x80x128xf32, #tpu.memory_space<vmem>> -> memref<1x80x128xf32, #tpu.memory_space<vmem>>
    %dma_start3A_19 = tpu.memref_squeeze %dma_start3A_18 : memref<1x80x128xf32, #tpu.memory_space<vmem>> -> memref<80x128xf32, #tpu.memory_space<vmem>>
    %dma_start3A_20 = arith.constant 0 : i32
    %dma_start3A_21 = tpu.memref_slice %arg7[%dma_start3A, %dma_start3A_20] : memref<2x80xi32, #tpu.memory_space<vmem>> -> memref<1x80xi32, #tpu.memory_space<vmem>>
    %dma_start3A_22 = tpu.memref_squeeze %dma_start3A_21 : memref<1x80xi32, #tpu.memory_space<vmem>> -> memref<80xi32, #tpu.memory_space<vmem>>
    %dma_start3A_23 = arith.constant 0 : i32
    %dma_start3A_24 = arith.constant 0 : i32
    %dma_start3A_25 = tpu.memref_slice %arg2[%dma_start3A_23, %dma_start3A_24] : memref<10000x128xf32, #tpu.memory_space<hbm>> -> memref<10000x128xf32, #tpu.memory_space<hbm>>
    tpu.enqueue_indirect_dma source(%dma_start3A_25 : memref<10000x128xf32, #tpu.memory_space<hbm>>) target(%dma_start3A_19 : memref<80x128xf32, #tpu.memory_space<vmem>>) offsets(%dma_start3A_22 : memref<80xi32, #tpu.memory_space<vmem>>) semaphore(%arg14 : memref<!tpu.dma_semaphore, #tpu.memory_space<semaphore_mem>>)
    %scan3A_26 = arith.constant 0 : i32
    %scan3A_27 = arith.constant 0 : i32
    %scan3A_28 = arith.constant 250 : i32
    %scan3A_29 = arith.addi %scan3A_27, %scan3A_28 : i32
    %scan3A_30 = arith.constant 1 : i32
    scf.for %scan3A_39 = %scan3A_27 to %scan3A_29 step %scan3A_30  : i32 {
      %rem3A = arith.constant 2 : i32
      %rem3A_40 = arith.remsi %scan3A_39, %rem3A : i32
      %sub3A = arith.constant 1 : i32
      %sub3A_41 = arith.subi %sub3A, %rem3A_40 : i32
      %mul3A_42 = arith.constant 80 : i32
      %mul3A_43 = arith.muli %scan3A_39, %mul3A_42 : i32
      %add3A = arith.addi %mul3A_14, %mul3A_43 : i32
      %add3A_44 = arith.constant 1 : i32
      %add3A_45 = arith.addi %scan3A_39, %add3A_44 : i32
      %lt3A = arith.constant 250 : i32
      %lt3A_46 = arith.cmpi slt, %add3A_45, %lt3A : i32
      %convert_element_type3A = arith.extui %lt3A_46 : i1 to i32
      %cond3A = arith.constant 0 : i32
      %cond3A_47 = arith.cmpi ne, %convert_element_type3A, %cond3A : i32
      scf.if %cond3A_47 {
        %add3A_79 = arith.constant 80 : i32
        %add3A_80 = arith.addi %add3A, %add3A_79 : i32
        "tpu.region"() ({
          %run_scoped3A_91 = tpu.sem_alloc : memref<!tpu.dma_semaphore, #tpu.memory_space<semaphore_mem>>
          %dma_start3A_92 = arith.constant 0 : i32
          %dma_start3A_93 = tpu.memref_slice %arg7[%sub3A_41, %dma_start3A_92] : memref<2x80xi32, #tpu.memory_space<vmem>> -> memref<1x80xi32, #tpu.memory_space<vmem>>
          %dma_start3A_94 = tpu.memref_squeeze %dma_start3A_93 : memref<1x80xi32, #tpu.memory_space<vmem>> -> memref<80xi32, #tpu.memory_space<vmem>>
          %dma_start3A_95 = tpu.memref_slice %arg3[%add3A_80] : memref<320000xi32, #tpu.memory_space<hbm>> -> memref<80xi32, #tpu.memory_space<hbm>>
          %dma_start3A_96 = arith.constant 0 : i32
          %dma_start3A_97 = tpu.memref_slice %arg7[%sub3A_41, %dma_start3A_96] : memref<2x80xi32, #tpu.memory_space<vmem>> -> memref<1x80xi32, #tpu.memory_space<vmem>>
          %dma_start3A_98 = tpu.memref_squeeze %dma_start3A_97 : memref<1x80xi32, #tpu.memory_space<vmem>> -> memref<80xi32, #tpu.memory_space<vmem>>
          %dma_start3A_99 = tpu.memref_slice %arg3[%add3A_80] : memref<320000xi32, #tpu.memory_space<hbm>> -> memref<80xi32, #tpu.memory_space<hbm>>
          tpu.enqueue_dma source(%dma_start3A_99 : memref<80xi32, #tpu.memory_space<hbm>>) target(%dma_start3A_98 : memref<80xi32, #tpu.memory_space<vmem>>) target_semaphore(%run_scoped3A_91 : memref<!tpu.dma_semaphore, #tpu.memory_space<semaphore_mem>>)
          %dma_wait3A_100 = arith.constant 0 : i32
          %dma_wait3A_101 = tpu.memref_slice %arg7[%sub3A_41, %dma_wait3A_100] : memref<2x80xi32, #tpu.memory_space<vmem>> -> memref<1x80xi32, #tpu.memory_space<vmem>>
          %dma_wait3A_102 = tpu.memref_squeeze %dma_wait3A_101 : memref<1x80xi32, #tpu.memory_space<vmem>> -> memref<80xi32, #tpu.memory_space<vmem>>
          %dma_wait3A_103 = tpu.memref_slice %arg3[%add3A_80] : memref<320000xi32, #tpu.memory_space<hbm>> -> memref<80xi32, #tpu.memory_space<hbm>>
          %dma_wait3A_104 = arith.constant 0 : i32
          %dma_wait3A_105 = tpu.memref_slice %arg7[%sub3A_41, %dma_wait3A_104] : memref<2x80xi32, #tpu.memory_space<vmem>> -> memref<1x80xi32, #tpu.memory_space<vmem>>
          %dma_wait3A_106 = tpu.memref_squeeze %dma_wait3A_105 : memref<1x80xi32, #tpu.memory_space<vmem>> -> memref<80xi32, #tpu.memory_space<vmem>>
          %dma_wait3A_107 = tpu.memref_slice %arg3[%add3A_80] : memref<320000xi32, #tpu.memory_space<hbm>> -> memref<80xi32, #tpu.memory_space<hbm>>
          tpu.wait_dma2 semaphore(%run_scoped3A_91 : memref<!tpu.dma_semaphore, #tpu.memory_space<semaphore_mem>>) src(%dma_wait3A_107 : memref<80xi32, #tpu.memory_space<hbm>>) dst(%dma_wait3A_106 : memref<80xi32, #tpu.memory_space<vmem>>)
          tpu.yield
        }) : () -> ()
        %dma_start3A_81 = arith.constant 0 : i32
        %dma_start3A_82 = arith.constant 0 : i32
        %dma_start3A_83 = tpu.memref_slice %arg10[%sub3A_41, %dma_start3A_81, %dma_start3A_82] : memref<2x80x128xf32, #tpu.memory_space<vmem>> -> memref<1x80x128xf32, #tpu.memory_space<vmem>>
        %dma_start3A_84 = tpu.memref_squeeze %dma_start3A_83 : memref<1x80x128xf32, #tpu.memory_space<vmem>> -> memref<80x128xf32, #tpu.memory_space<vmem>>
        %dma_start3A_85 = arith.constant 0 : i32
        %dma_start3A_86 = tpu.memref_slice %arg7[%sub3A_41, %dma_start3A_85] : memref<2x80xi32, #tpu.memory_space<vmem>> -> memref<1x80xi32, #tpu.memory_space<vmem>>
        %dma_start3A_87 = tpu.memref_squeeze %dma_start3A_86 : memref<1x80xi32, #tpu.memory_space<vmem>> -> memref<80xi32, #tpu.memory_space<vmem>>
        %dma_start3A_88 = arith.constant 0 : i32
        %dma_start3A_89 = arith.constant 0 : i32
        %dma_start3A_90 = tpu.memref_slice %arg2[%dma_start3A_88, %dma_start3A_89] : memref<10000x128xf32, #tpu.memory_space<hbm>> -> memref<10000x128xf32, #tpu.memory_space<hbm>>
        tpu.enqueue_indirect_dma source(%dma_start3A_90 : memref<10000x128xf32, #tpu.memory_space<hbm>>) target(%dma_start3A_84 : memref<80x128xf32, #tpu.memory_space<vmem>>) offsets(%dma_start3A_87 : memref<80xi32, #tpu.memory_space<vmem>>) semaphore(%arg14 : memref<!tpu.dma_semaphore, #tpu.memory_space<semaphore_mem>>)
      } else {
      }
      %mul3A_48 = arith.constant 80 : i32
      %mul3A_49 = arith.muli %add3A, %mul3A_48 : i32
      "tpu.region"() ({
        %run_scoped3A_79 = tpu.sem_alloc : memref<!tpu.dma_semaphore, #tpu.memory_space<semaphore_mem>>
        %dma_start3A_80 = tpu.memref_slice %arg5[%mul3A_49] : memref<25600000xf32, #tpu.memory_space<hbm>> -> memref<6400xf32, #tpu.memory_space<hbm>>
        %dma_start3A_81 = tpu.memref_slice %arg5[%mul3A_49] : memref<25600000xf32, #tpu.memory_space<hbm>> -> memref<6400xf32, #tpu.memory_space<hbm>>
        tpu.enqueue_dma source(%dma_start3A_81 : memref<6400xf32, #tpu.memory_space<hbm>>) target(%arg9 : memref<6400xf32, #tpu.memory_space<vmem>>) target_semaphore(%run_scoped3A_79 : memref<!tpu.dma_semaphore, #tpu.memory_space<semaphore_mem>>)
        %dma_wait3A_82 = tpu.memref_slice %arg5[%mul3A_49] : memref<25600000xf32, #tpu.memory_space<hbm>> -> memref<6400xf32, #tpu.memory_space<hbm>>
        %dma_wait3A_83 = tpu.memref_slice %arg5[%mul3A_49] : memref<25600000xf32, #tpu.memory_space<hbm>> -> memref<6400xf32, #tpu.memory_space<hbm>>
        tpu.wait_dma2 semaphore(%run_scoped3A_79 : memref<!tpu.dma_semaphore, #tpu.memory_space<semaphore_mem>>) src(%dma_wait3A_83 : memref<6400xf32, #tpu.memory_space<hbm>>) dst(%arg9 : memref<6400xf32, #tpu.memory_space<vmem>>)
        tpu.yield
      }) : () -> ()
      "tpu.region"() ({
        %run_scoped3A_79 = tpu.sem_alloc : memref<!tpu.dma_semaphore, #tpu.memory_space<semaphore_mem>>
        %dma_start3A_80 = arith.constant 0 : i32
        %dma_start3A_81 = tpu.memref_slice %arg8[%rem3A_40, %dma_start3A_80] : memref<2x80xi32, #tpu.memory_space<vmem>> -> memref<1x80xi32, #tpu.memory_space<vmem>>
        %dma_start3A_82 = tpu.memref_squeeze %dma_start3A_81 : memref<1x80xi32, #tpu.memory_space<vmem>> -> memref<80xi32, #tpu.memory_space<vmem>>
        %dma_start3A_83 = tpu.memref_slice %arg4[%add3A] : memref<320000xi32, #tpu.memory_space<hbm>> -> memref<80xi32, #tpu.memory_space<hbm>>
        %dma_start3A_84 = arith.constant 0 : i32
        %dma_start3A_85 = tpu.memref_slice %arg8[%rem3A_40, %dma_start3A_84] : memref<2x80xi32, #tpu.memory_space<vmem>> -> memref<1x80xi32, #tpu.memory_space<vmem>>
        %dma_start3A_86 = tpu.memref_squeeze %dma_start3A_85 : memref<1x80xi32, #tpu.memory_space<vmem>> -> memref<80xi32, #tpu.memory_space<vmem>>
        %dma_start3A_87 = tpu.memref_slice %arg4[%add3A] : memref<320000xi32, #tpu.memory_space<hbm>> -> memref<80xi32, #tpu.memory_space<hbm>>
        tpu.enqueue_dma source(%dma_start3A_87 : memref<80xi32, #tpu.memory_space<hbm>>) target(%dma_start3A_86 : memref<80xi32, #tpu.memory_space<vmem>>) target_semaphore(%run_scoped3A_79 : memref<!tpu.dma_semaphore, #tpu.memory_space<semaphore_mem>>)
        %dma_wait3A_88 = arith.constant 0 : i32
        %dma_wait3A_89 = tpu.memref_slice %arg8[%rem3A_40, %dma_wait3A_88] : memref<2x80xi32, #tpu.memory_space<vmem>> -> memref<1x80xi32, #tpu.memory_space<vmem>>
        %dma_wait3A_90 = tpu.memref_squeeze %dma_wait3A_89 : memref<1x80xi32, #tpu.memory_space<vmem>> -> memref<80xi32, #tpu.memory_space<vmem>>
        %dma_wait3A_91 = tpu.memref_slice %arg4[%add3A] : memref<320000xi32, #tpu.memory_space<hbm>> -> memref<80xi32, #tpu.memory_space<hbm>>
        %dma_wait3A_92 = arith.constant 0 : i32
        %dma_wait3A_93 = tpu.memref_slice %arg8[%rem3A_40, %dma_wait3A_92] : memref<2x80xi32, #tpu.memory_space<vmem>> -> memref<1x80xi32, #tpu.memory_space<vmem>>
        %dma_wait3A_94 = tpu.memref_squeeze %dma_wait3A_93 : memref<1x80xi32, #tpu.memory_space<vmem>> -> memref<80xi32, #tpu.memory_space<vmem>>
        %dma_wait3A_95 = tpu.memref_slice %arg4[%add3A] : memref<320000xi32, #tpu.memory_space<hbm>> -> memref<80xi32, #tpu.memory_space<hbm>>
        tpu.wait_dma2 semaphore(%run_scoped3A_79 : memref<!tpu.dma_semaphore, #tpu.memory_space<semaphore_mem>>) src(%dma_wait3A_95 : memref<80xi32, #tpu.memory_space<hbm>>) dst(%dma_wait3A_94 : memref<80xi32, #tpu.memory_space<vmem>>)
        tpu.yield
      }) : () -> ()
      %dma_wait3A_50 = arith.constant 0 : i32
      %dma_wait3A_51 = arith.constant 0 : i32
      %dma_wait3A_52 = tpu.memref_slice %arg10[%rem3A_40, %dma_wait3A_50, %dma_wait3A_51] : memref<2x80x128xf32, #tpu.memory_space<vmem>> -> memref<1x80x128xf32, #tpu.memory_space<vmem>>
      %dma_wait3A_53 = tpu.memref_squeeze %dma_wait3A_52 : memref<1x80x128xf32, #tpu.memory_space<vmem>> -> memref<80x128xf32, #tpu.memory_space<vmem>>
      %dma_wait3A_54 = arith.constant 0 : i32
      %dma_wait3A_55 = tpu.memref_slice %arg7[%rem3A_40, %dma_wait3A_54] : memref<2x80xi32, #tpu.memory_space<vmem>> -> memref<1x80xi32, #tpu.memory_space<vmem>>
      %dma_wait3A_56 = tpu.memref_squeeze %dma_wait3A_55 : memref<1x80xi32, #tpu.memory_space<vmem>> -> memref<80xi32, #tpu.memory_space<vmem>>
      %dma_wait3A_57 = arith.constant 0 : i32
      %dma_wait3A_58 = arith.constant 0 : i32
      %dma_wait3A_59 = tpu.memref_slice %arg2[%dma_wait3A_57, %dma_wait3A_58] : memref<10000x128xf32, #tpu.memory_space<hbm>> -> memref<10000x128xf32, #tpu.memory_space<hbm>>
      tpu.wait_indirect_dma semaphore(%arg14 : memref<!tpu.dma_semaphore, #tpu.memory_space<semaphore_mem>>) src(%dma_wait3A_59 : memref<10000x128xf32, #tpu.memory_space<hbm>>) dst(%dma_wait3A_53 : memref<80x128xf32, #tpu.memory_space<vmem>>)
      %gt3A = arith.constant 0 : i32
      %gt3A_60 = arith.cmpi sgt, %scan3A_39, %gt3A : i32
      %convert_element_type3A_61 = arith.extui %gt3A_60 : i1 to i32
      %cond3A_62 = arith.constant 0 : i32
      %cond3A_63 = arith.cmpi ne, %convert_element_type3A_61, %cond3A_62 : i32
      scf.if %cond3A_63 {
        %dma_wait3A_79 = arith.constant 0 : i32
        %dma_wait3A_80 = tpu.memref_slice %arg8[%sub3A_41, %dma_wait3A_79] : memref<2x80xi32, #tpu.memory_space<vmem>> -> memref<1x80xi32, #tpu.memory_space<vmem>>
        %dma_wait3A_81 = tpu.memref_squeeze %dma_wait3A_80 : memref<1x80xi32, #tpu.memory_space<vmem>> -> memref<80xi32, #tpu.memory_space<vmem>>
        %dma_wait3A_82 = arith.constant 0 : i32
        %dma_wait3A_83 = arith.constant 0 : i32
        %dma_wait3A_84 = tpu.memref_slice %arg13[%dma_wait3A_82, %dma_wait3A_83] : memref<10112x128xf32, #tpu.memory_space<vmem_shared>> -> memref<10112x128xf32, #tpu.memory_space<vmem_shared>>
        tpu.wait_indirect_dma semaphore(%arg15 : memref<!tpu.dma_semaphore, #tpu.memory_space<semaphore_mem>>) src(%arg11 : memref<80x128xf32, #tpu.memory_space<vmem>>) dst(%dma_wait3A_84 : memref<10112x128xf32, #tpu.memory_space<vmem_shared>>)
      } else {
      }
      %eq3A = arith.constant 0 : i32
      %eq3A_64 = arith.cmpi eq, %arg0, %eq3A : i32
      %convert_element_type3A_65 = arith.extui %eq3A_64 : i1 to i32
      %cond3A_66 = arith.constant 0 : i32
      %cond3A_67 = arith.cmpi ne, %convert_element_type3A_65, %cond3A_66 : i32
      scf.if %cond3A_67 {
        %parallel_loop3A = arith.constant 0 : i32
        %parallel_loop3A_79 = arith.constant 40 : i32
        %parallel_loop3A_80 = arith.constant 1 : i32
        scf.for %parallel_loop3A_81 = %parallel_loop3A to %parallel_loop3A_79 step %parallel_loop3A_80  : i32 {
          %parallel_loop3A_82 = arith.constant 2 : i32
          %parallel_loop3A_83 = arith.muli %parallel_loop3A_81, %parallel_loop3A_82 : i32
          %parallel_loop3A_84 = arith.constant 0 : i32
          %parallel_loop3A_85 = arith.addi %parallel_loop3A_83, %parallel_loop3A_84 : i32
          %parallel_loop3A_86 = arith.constant 80 : i32
          %parallel_loop3A_87 = arith.muli %parallel_loop3A_85, %parallel_loop3A_86 : i32
          %parallel_loop3A_88 = arith.index_cast %parallel_loop3A_87 : i32 to index
          %parallel_loop3A_89 = tpu.vector_load %arg9[%parallel_loop3A_88] {strides = array<i32>} : memref<6400xf32, #tpu.memory_space<vmem>>, vector<16xf32>,
          %parallel_loop3A_90 = vector.shape_cast %parallel_loop3A_89 : vector<16xf32> to vector<16xf32>
          %parallel_loop3A_91 = arith.constant 80 : i32
          %parallel_loop3A_92 = arith.muli %parallel_loop3A_85, %parallel_loop3A_91 : i32
          %parallel_loop3A_93 = arith.constant 16 : i32
          %parallel_loop3A_94 = arith.addi %parallel_loop3A_92, %parallel_loop3A_93 : i32
          %parallel_loop3A_95 = arith.index_cast %parallel_loop3A_94 : i32 to index
          %parallel_loop3A_96 = tpu.vector_load %arg9[%parallel_loop3A_95] {strides = array<i32>} : memref<6400xf32, #tpu.memory_space<vmem>>, vector<16xf32>,
          %parallel_loop3A_97 = vector.shape_cast %parallel_loop3A_96 : vector<16xf32> to vector<16xf32>
          %parallel_loop3A_98 = arith.constant 80 : i32
          %parallel_loop3A_99 = arith.muli %parallel_loop3A_85, %parallel_loop3A_98 : i32
          %parallel_loop3A_100 = arith.constant 32 : i32
          %parallel_loop3A_101 = arith.addi %parallel_loop3A_99, %parallel_loop3A_100 : i32
          %parallel_loop3A_102 = arith.index_cast %parallel_loop3A_101 : i32 to index
          %parallel_loop3A_103 = tpu.vector_load %arg9[%parallel_loop3A_102] {strides = array<i32>} : memref<6400xf32, #tpu.memory_space<vmem>>, vector<16xf32>,
          %parallel_loop3A_104 = vector.shape_cast %parallel_loop3A_103 : vector<16xf32> to vector<16xf32>
          %parallel_loop3A_105 = arith.constant 80 : i32
          %parallel_loop3A_106 = arith.muli %parallel_loop3A_85, %parallel_loop3A_105 : i32
          %parallel_loop3A_107 = arith.constant 48 : i32
          %parallel_loop3A_108 = arith.addi %parallel_loop3A_106, %parallel_loop3A_107 : i32
          %parallel_loop3A_109 = arith.index_cast %parallel_loop3A_108 : i32 to index
          %parallel_loop3A_110 = tpu.vector_load %arg9[%parallel_loop3A_109] {strides = array<i32>} : memref<6400xf32, #tpu.memory_space<vmem>>, vector<16xf32>,
          %parallel_loop3A_111 = vector.shape_cast %parallel_loop3A_110 : vector<16xf32> to vector<16xf32>
          %parallel_loop3A_112 = arith.constant 80 : i32
          %parallel_loop3A_113 = arith.muli %parallel_loop3A_85, %parallel_loop3A_112 : i32
          %parallel_loop3A_114 = arith.constant 64 : i32
          %parallel_loop3A_115 = arith.addi %parallel_loop3A_113, %parallel_loop3A_114 : i32
          %parallel_loop3A_116 = arith.index_cast %parallel_loop3A_115 : i32 to index
          %parallel_loop3A_117 = tpu.vector_load %arg9[%parallel_loop3A_116] {strides = array<i32>} : memref<6400xf32, #tpu.memory_space<vmem>>, vector<16xf32>,
          %parallel_loop3A_118 = vector.shape_cast %parallel_loop3A_117 : vector<16xf32> to vector<16xf32>
          %parallel_loop3A_119 = arith.index_cast %rem3A_40 : i32 to index
          %parallel_loop3A_120 = arith.index_cast %parallel_loop3A_85 : i32 to index
          %parallel_loop3A_121 = arith.constant 0 : index
          %parallel_loop3A_122 = tpu.vector_load %arg10[%parallel_loop3A_119, %parallel_loop3A_120, %parallel_loop3A_121] {strides = array<i32>} : memref<2x80x128xf32, #tpu.memory_space<vmem>>, vector<1x1x16xf32>,
          %parallel_loop3A_123 = vector.shape_cast %parallel_loop3A_122 : vector<1x1x16xf32> to vector<16xf32>
          %parallel_loop3A_124 = arith.index_cast %rem3A_40 : i32 to index
          %parallel_loop3A_125 = arith.index_cast %parallel_loop3A_85 : i32 to index
          %parallel_loop3A_126 = arith.constant 16 : index
          %parallel_loop3A_127 = tpu.vector_load %arg10[%parallel_loop3A_124, %parallel_loop3A_125, %parallel_loop3A_126] {strides = array<i32>} : memref<2x80x128xf32, #tpu.memory_space<vmem>>, vector<1x1x16xf32>,
          %parallel_loop3A_128 = vector.shape_cast %parallel_loop3A_127 : vector<1x1x16xf32> to vector<16xf32>
          %parallel_loop3A_129 = arith.index_cast %rem3A_40 : i32 to index
          %parallel_loop3A_130 = arith.index_cast %parallel_loop3A_85 : i32 to index
          %parallel_loop3A_131 = arith.constant 32 : index
          %parallel_loop3A_132 = tpu.vector_load %arg10[%parallel_loop3A_129, %parallel_loop3A_130, %parallel_loop3A_131] {strides = array<i32>} : memref<2x80x128xf32, #tpu.memory_space<vmem>>, vector<1x1x16xf32>,
          %parallel_loop3A_133 = vector.shape_cast %parallel_loop3A_132 : vector<1x1x16xf32> to vector<16xf32>
          %parallel_loop3A_134 = arith.index_cast %rem3A_40 : i32 to index
          %parallel_loop3A_135 = arith.index_cast %parallel_loop3A_85 : i32 to index
          %parallel_loop3A_136 = arith.constant 48 : index
          %parallel_loop3A_137 = tpu.vector_load %arg10[%parallel_loop3A_134, %parallel_loop3A_135, %parallel_loop3A_136] {strides = array<i32>} : memref<2x80x128xf32, #tpu.memory_space<vmem>>, vector<1x1x16xf32>,
          %parallel_loop3A_138 = vector.shape_cast %parallel_loop3A_137 : vector<1x1x16xf32> to vector<16xf32>
          %parallel_loop3A_139 = arith.index_cast %rem3A_40 : i32 to index
          %parallel_loop3A_140 = arith.index_cast %parallel_loop3A_85 : i32 to index
          %parallel_loop3A_141 = arith.constant 64 : index
          %parallel_loop3A_142 = tpu.vector_load %arg10[%parallel_loop3A_139, %parallel_loop3A_140, %parallel_loop3A_141] {strides = array<i32>} : memref<2x80x128xf32, #tpu.memory_space<vmem>>, vector<1x1x16xf32>,
          %parallel_loop3A_143 = vector.shape_cast %parallel_loop3A_142 : vector<1x1x16xf32> to vector<16xf32>
          %parallel_loop3A_144 = arith.index_cast %rem3A_40 : i32 to index
          %parallel_loop3A_145 = arith.index_cast %parallel_loop3A_85 : i32 to index
          %parallel_loop3A_146 = arith.constant 80 : index
          %parallel_loop3A_147 = tpu.vector_load %arg10[%parallel_loop3A_144, %parallel_loop3A_145, %parallel_loop3A_146] {strides = array<i32>} : memref<2x80x128xf32, #tpu.memory_space<vmem>>, vector<1x1x16xf32>,
          %parallel_loop3A_148 = vector.shape_cast %parallel_loop3A_147 : vector<1x1x16xf32> to vector<16xf32>
          %parallel_loop3A_149 = arith.index_cast %rem3A_40 : i32 to index
          %parallel_loop3A_150 = arith.index_cast %parallel_loop3A_85 : i32 to index
          %parallel_loop3A_151 = arith.constant 96 : index
          %parallel_loop3A_152 = tpu.vector_load %arg10[%parallel_loop3A_149, %parallel_loop3A_150, %parallel_loop3A_151] {strides = array<i32>} : memref<2x80x128xf32, #tpu.memory_space<vmem>>, vector<1x1x16xf32>,
          %parallel_loop3A_153 = vector.shape_cast %parallel_loop3A_152 : vector<1x1x16xf32> to vector<16xf32>
          %parallel_loop3A_154 = arith.index_cast %rem3A_40 : i32 to index
          %parallel_loop3A_155 = arith.index_cast %parallel_loop3A_85 : i32 to index
          %parallel_loop3A_156 = arith.constant 112 : index
          %parallel_loop3A_157 = tpu.vector_load %arg10[%parallel_loop3A_154, %parallel_loop3A_155, %parallel_loop3A_156] {strides = array<i32>} : memref<2x80x128xf32, #tpu.memory_space<vmem>>, vector<1x1x16xf32>,
          %parallel_loop3A_158 = vector.shape_cast %parallel_loop3A_157 : vector<1x1x16xf32> to vector<16xf32>
          %parallel_loop3A_159 = arith.mulf %parallel_loop3A_123, %parallel_loop3A_90 : vector<16xf32>
          %parallel_loop3A_160 = arith.index_cast %parallel_loop3A_85 : i32 to index
          %parallel_loop3A_161 = arith.constant 0 : index
          %parallel_loop3A_162 = tpu.vector_load %arg11[%parallel_loop3A_160, %parallel_loop3A_161] {strides = array<i32>} : memref<80x128xf32, #tpu.memory_space<vmem>>, vector<1x16xf32>,
          %parallel_loop3A_163 = vector.shape_cast %parallel_loop3A_162 : vector<1x16xf32> to vector<16xf32>
          %parallel_loop3A_164 = vector.shape_cast %parallel_loop3A_159 : vector<16xf32> to vector<1x16xf32>
          tpu.vector_store %arg11[%parallel_loop3A_160, %parallel_loop3A_161], %parallel_loop3A_164 {strides = array<i32>} : memref<80x128xf32, #tpu.memory_space<vmem>>, vector<1x16xf32>,
          %parallel_loop3A_165 = arith.mulf %parallel_loop3A_128, %parallel_loop3A_97 : vector<16xf32>
          %parallel_loop3A_166 = arith.index_cast %parallel_loop3A_85 : i32 to index
          %parallel_loop3A_167 = arith.constant 16 : index
          %parallel_loop3A_168 = tpu.vector_load %arg11[%parallel_loop3A_166, %parallel_loop3A_167] {strides = array<i32>} : memref<80x128xf32, #tpu.memory_space<vmem>>, vector<1x16xf32>,
          %parallel_loop3A_169 = vector.shape_cast %parallel_loop3A_168 : vector<1x16xf32> to vector<16xf32>
          %parallel_loop3A_170 = vector.shape_cast %parallel_loop3A_165 : vector<16xf32> to vector<1x16xf32>
          tpu.vector_store %arg11[%parallel_loop3A_166, %parallel_loop3A_167], %parallel_loop3A_170 {strides = array<i32>} : memref<80x128xf32, #tpu.memory_space<vmem>>, vector<1x16xf32>,
          %parallel_loop3A_171 = arith.mulf %parallel_loop3A_133, %parallel_loop3A_90 : vector<16xf32>
          %parallel_loop3A_172 = arith.index_cast %parallel_loop3A_85 : i32 to index
          %parallel_loop3A_173 = arith.constant 32 : index
          %parallel_loop3A_174 = tpu.vector_load %arg11[%parallel_loop3A_172, %parallel_loop3A_173] {strides = array<i32>} : memref<80x128xf32, #tpu.memory_space<vmem>>, vector<1x16xf32>,
          %parallel_loop3A_175 = vector.shape_cast %parallel_loop3A_174 : vector<1x16xf32> to vector<16xf32>
          %parallel_loop3A_176 = vector.shape_cast %parallel_loop3A_171 : vector<16xf32> to vector<1x16xf32>
          tpu.vector_store %arg11[%parallel_loop3A_172, %parallel_loop3A_173], %parallel_loop3A_176 {strides = array<i32>} : memref<80x128xf32, #tpu.memory_space<vmem>>, vector<1x16xf32>,
          %parallel_loop3A_177 = arith.mulf %parallel_loop3A_138, %parallel_loop3A_97 : vector<16xf32>
          %parallel_loop3A_178 = arith.index_cast %parallel_loop3A_85 : i32 to index
          %parallel_loop3A_179 = arith.constant 48 : index
          %parallel_loop3A_180 = tpu.vector_load %arg11[%parallel_loop3A_178, %parallel_loop3A_179] {strides = array<i32>} : memref<80x128xf32, #tpu.memory_space<vmem>>, vector<1x16xf32>,
          %parallel_loop3A_181 = vector.shape_cast %parallel_loop3A_180 : vector<1x16xf32> to vector<16xf32>
          %parallel_loop3A_182 = vector.shape_cast %parallel_loop3A_177 : vector<16xf32> to vector<1x16xf32>
          tpu.vector_store %arg11[%parallel_loop3A_178, %parallel_loop3A_179], %parallel_loop3A_182 {strides = array<i32>} : memref<80x128xf32, #tpu.memory_space<vmem>>, vector<1x16xf32>,
          %parallel_loop3A_183 = vector.extract_strided_slice %parallel_loop3A_118 {offsets = [0], sizes = [1], strides = [1]} : vector<16xf32> to vector<1xf32>
          %parallel_loop3A_184 = vector.extract %parallel_loop3A_183[0] : f32 from vector<1xf32>
          %parallel_loop3A_185 = vector.broadcast %parallel_loop3A_184 : f32 to vector<16xf32>
          %parallel_loop3A_186 = arith.mulf %parallel_loop3A_123, %parallel_loop3A_185 : vector<16xf32>
          %parallel_loop3A_187 = vector.extract_strided_slice %parallel_loop3A_118 {offsets = [1], sizes = [1], strides = [1]} : vector<16xf32> to vector<1xf32>
          %parallel_loop3A_188 = vector.extract %parallel_loop3A_187[0] : f32 from vector<1xf32>
          %parallel_loop3A_189 = vector.broadcast %parallel_loop3A_188 : f32 to vector<16xf32>
          %parallel_loop3A_190 = arith.mulf %parallel_loop3A_133, %parallel_loop3A_189 : vector<16xf32>
          %parallel_loop3A_191 = arith.addf %parallel_loop3A_186, %parallel_loop3A_190 : vector<16xf32>
          %parallel_loop3A_192 = vector.extract_strided_slice %parallel_loop3A_118 {offsets = [2], sizes = [1], strides = [1]} : vector<16xf32> to vector<1xf32>
          %parallel_loop3A_193 = vector.extract %parallel_loop3A_192[0] : f32 from vector<1xf32>
          %parallel_loop3A_194 = vector.broadcast %parallel_loop3A_193 : f32 to vector<16xf32>
          %parallel_loop3A_195 = arith.mulf %parallel_loop3A_143, %parallel_loop3A_194 : vector<16xf32>
          %parallel_loop3A_196 = arith.addf %parallel_loop3A_191, %parallel_loop3A_195 : vector<16xf32>
          %parallel_loop3A_197 = vector.extract_strided_slice %parallel_loop3A_118 {offsets = [3], sizes = [1], strides = [1]} : vector<16xf32> to vector<1xf32>
          %parallel_loop3A_198 = vector.extract %parallel_loop3A_197[0] : f32 from vector<1xf32>
          %parallel_loop3A_199 = vector.broadcast %parallel_loop3A_198 : f32 to vector<16xf32>
          %parallel_loop3A_200 = arith.mulf %parallel_loop3A_153, %parallel_loop3A_199 : vector<16xf32>
          %parallel_loop3A_201 = arith.addf %parallel_loop3A_196, %parallel_loop3A_200 : vector<16xf32>
          %parallel_loop3A_202 = arith.mulf %parallel_loop3A_201, %parallel_loop3A_104 : vector<16xf32>
          %parallel_loop3A_203 = arith.index_cast %parallel_loop3A_85 : i32 to index
          %parallel_loop3A_204 = arith.constant 64 : index
          %parallel_loop3A_205 = tpu.vector_load %arg11[%parallel_loop3A_203, %parallel_loop3A_204] {strides = array<i32>} : memref<80x128xf32, #tpu.memory_space<vmem>>, vector<1x16xf32>,
          %parallel_loop3A_206 = vector.shape_cast %parallel_loop3A_205 : vector<1x16xf32> to vector<16xf32>
          %parallel_loop3A_207 = vector.shape_cast %parallel_loop3A_202 : vector<16xf32> to vector<1x16xf32>
          tpu.vector_store %arg11[%parallel_loop3A_203, %parallel_loop3A_204], %parallel_loop3A_207 {strides = array<i32>} : memref<80x128xf32, #tpu.memory_space<vmem>>, vector<1x16xf32>,
          %parallel_loop3A_208 = vector.extract_strided_slice %parallel_loop3A_118 {offsets = [0], sizes = [1], strides = [1]} : vector<16xf32> to vector<1xf32>
          %parallel_loop3A_209 = vector.extract %parallel_loop3A_208[0] : f32 from vector<1xf32>
          %parallel_loop3A_210 = vector.broadcast %parallel_loop3A_209 : f32 to vector<16xf32>
          %parallel_loop3A_211 = arith.mulf %parallel_loop3A_128, %parallel_loop3A_210 : vector<16xf32>
          %parallel_loop3A_212 = vector.extract_strided_slice %parallel_loop3A_118 {offsets = [1], sizes = [1], strides = [1]} : vector<16xf32> to vector<1xf32>
          %parallel_loop3A_213 = vector.extract %parallel_loop3A_212[0] : f32 from vector<1xf32>
          %parallel_loop3A_214 = vector.broadcast %parallel_loop3A_213 : f32 to vector<16xf32>
          %parallel_loop3A_215 = arith.mulf %parallel_loop3A_138, %parallel_loop3A_214 : vector<16xf32>
          %parallel_loop3A_216 = arith.addf %parallel_loop3A_211, %parallel_loop3A_215 : vector<16xf32>
          %parallel_loop3A_217 = vector.extract_strided_slice %parallel_loop3A_118 {offsets = [2], sizes = [1], strides = [1]} : vector<16xf32> to vector<1xf32>
          %parallel_loop3A_218 = vector.extract %parallel_loop3A_217[0] : f32 from vector<1xf32>
          %parallel_loop3A_219 = vector.broadcast %parallel_loop3A_218 : f32 to vector<16xf32>
          %parallel_loop3A_220 = arith.mulf %parallel_loop3A_148, %parallel_loop3A_219 : vector<16xf32>
          %parallel_loop3A_221 = arith.addf %parallel_loop3A_216, %parallel_loop3A_220 : vector<16xf32>
          %parallel_loop3A_222 = vector.extract_strided_slice %parallel_loop3A_118 {offsets = [3], sizes = [1], strides = [1]} : vector<16xf32> to vector<1xf32>
          %parallel_loop3A_223 = vector.extract %parallel_loop3A_222[0] : f32 from vector<1xf32>
          %parallel_loop3A_224 = vector.broadcast %parallel_loop3A_223 : f32 to vector<16xf32>
          %parallel_loop3A_225 = arith.mulf %parallel_loop3A_158, %parallel_loop3A_224 : vector<16xf32>
          %parallel_loop3A_226 = arith.addf %parallel_loop3A_221, %parallel_loop3A_225 : vector<16xf32>
          %parallel_loop3A_227 = arith.mulf %parallel_loop3A_226, %parallel_loop3A_111 : vector<16xf32>
          %parallel_loop3A_228 = arith.index_cast %parallel_loop3A_85 : i32 to index
          %parallel_loop3A_229 = arith.constant 80 : index
          %parallel_loop3A_230 = tpu.vector_load %arg11[%parallel_loop3A_228, %parallel_loop3A_229] {strides = array<i32>} : memref<80x128xf32, #tpu.memory_space<vmem>>, vector<1x16xf32>,
          %parallel_loop3A_231 = vector.shape_cast %parallel_loop3A_230 : vector<1x16xf32> to vector<16xf32>
          %parallel_loop3A_232 = vector.shape_cast %parallel_loop3A_227 : vector<16xf32> to vector<1x16xf32>
          tpu.vector_store %arg11[%parallel_loop3A_228, %parallel_loop3A_229], %parallel_loop3A_232 {strides = array<i32>} : memref<80x128xf32, #tpu.memory_space<vmem>>, vector<1x16xf32>,
          %parallel_loop3A_233 = vector.extract_strided_slice %parallel_loop3A_118 {offsets = [4], sizes = [1], strides = [1]} : vector<16xf32> to vector<1xf32>
          %parallel_loop3A_234 = vector.extract %parallel_loop3A_233[0] : f32 from vector<1xf32>
          %parallel_loop3A_235 = vector.broadcast %parallel_loop3A_234 : f32 to vector<16xf32>
          %parallel_loop3A_236 = arith.mulf %parallel_loop3A_123, %parallel_loop3A_235 : vector<16xf32>
          %parallel_loop3A_237 = vector.extract_strided_slice %parallel_loop3A_118 {offsets = [5], sizes = [1], strides = [1]} : vector<16xf32> to vector<1xf32>
          %parallel_loop3A_238 = vector.extract %parallel_loop3A_237[0] : f32 from vector<1xf32>
          %parallel_loop3A_239 = vector.broadcast %parallel_loop3A_238 : f32 to vector<16xf32>
          %parallel_loop3A_240 = arith.mulf %parallel_loop3A_133, %parallel_loop3A_239 : vector<16xf32>
          %parallel_loop3A_241 = arith.addf %parallel_loop3A_236, %parallel_loop3A_240 : vector<16xf32>
          %parallel_loop3A_242 = vector.extract_strided_slice %parallel_loop3A_118 {offsets = [6], sizes = [1], strides = [1]} : vector<16xf32> to vector<1xf32>
          %parallel_loop3A_243 = vector.extract %parallel_loop3A_242[0] : f32 from vector<1xf32>
          %parallel_loop3A_244 = vector.broadcast %parallel_loop3A_243 : f32 to vector<16xf32>
          %parallel_loop3A_245 = arith.mulf %parallel_loop3A_143, %parallel_loop3A_244 : vector<16xf32>
          %parallel_loop3A_246 = arith.addf %parallel_loop3A_241, %parallel_loop3A_245 : vector<16xf32>
          %parallel_loop3A_247 = vector.extract_strided_slice %parallel_loop3A_118 {offsets = [7], sizes = [1], strides = [1]} : vector<16xf32> to vector<1xf32>
          %parallel_loop3A_248 = vector.extract %parallel_loop3A_247[0] : f32 from vector<1xf32>
          %parallel_loop3A_249 = vector.broadcast %parallel_loop3A_248 : f32 to vector<16xf32>
          %parallel_loop3A_250 = arith.mulf %parallel_loop3A_153, %parallel_loop3A_249 : vector<16xf32>
          %parallel_loop3A_251 = arith.addf %parallel_loop3A_246, %parallel_loop3A_250 : vector<16xf32>
          %parallel_loop3A_252 = arith.mulf %parallel_loop3A_251, %parallel_loop3A_104 : vector<16xf32>
          %parallel_loop3A_253 = arith.index_cast %parallel_loop3A_85 : i32 to index
          %parallel_loop3A_254 = arith.constant 96 : index
          %parallel_loop3A_255 = tpu.vector_load %arg11[%parallel_loop3A_253, %parallel_loop3A_254] {strides = array<i32>} : memref<80x128xf32, #tpu.memory_space<vmem>>, vector<1x16xf32>,
          %parallel_loop3A_256 = vector.shape_cast %parallel_loop3A_255 : vector<1x16xf32> to vector<16xf32>
          %parallel_loop3A_257 = vector.shape_cast %parallel_loop3A_252 : vector<16xf32> to vector<1x16xf32>
          tpu.vector_store %arg11[%parallel_loop3A_253, %parallel_loop3A_254], %parallel_loop3A_257 {strides = array<i32>} : memref<80x128xf32, #tpu.memory_space<vmem>>, vector<1x16xf32>,
          %parallel_loop3A_258 = vector.extract_strided_slice %parallel_loop3A_118 {offsets = [4], sizes = [1], strides = [1]} : vector<16xf32> to vector<1xf32>
          %parallel_loop3A_259 = vector.extract %parallel_loop3A_258[0] : f32 from vector<1xf32>
          %parallel_loop3A_260 = vector.broadcast %parallel_loop3A_259 : f32 to vector<16xf32>
          %parallel_loop3A_261 = arith.mulf %parallel_loop3A_128, %parallel_loop3A_260 : vector<16xf32>
          %parallel_loop3A_262 = vector.extract_strided_slice %parallel_loop3A_118 {offsets = [5], sizes = [1], strides = [1]} : vector<16xf32> to vector<1xf32>
          %parallel_loop3A_263 = vector.extract %parallel_loop3A_262[0] : f32 from vector<1xf32>
          %parallel_loop3A_264 = vector.broadcast %parallel_loop3A_263 : f32 to vector<16xf32>
          %parallel_loop3A_265 = arith.mulf %parallel_loop3A_138, %parallel_loop3A_264 : vector<16xf32>
          %parallel_loop3A_266 = arith.addf %parallel_loop3A_261, %parallel_loop3A_265 : vector<16xf32>
          %parallel_loop3A_267 = vector.extract_strided_slice %parallel_loop3A_118 {offsets = [6], sizes = [1], strides = [1]} : vector<16xf32> to vector<1xf32>
          %parallel_loop3A_268 = vector.extract %parallel_loop3A_267[0] : f32 from vector<1xf32>
          %parallel_loop3A_269 = vector.broadcast %parallel_loop3A_268 : f32 to vector<16xf32>
          %parallel_loop3A_270 = arith.mulf %parallel_loop3A_148, %parallel_loop3A_269 : vector<16xf32>
          %parallel_loop3A_271 = arith.addf %parallel_loop3A_266, %parallel_loop3A_270 : vector<16xf32>
          %parallel_loop3A_272 = vector.extract_strided_slice %parallel_loop3A_118 {offsets = [7], sizes = [1], strides = [1]} : vector<16xf32> to vector<1xf32>
          %parallel_loop3A_273 = vector.extract %parallel_loop3A_272[0] : f32 from vector<1xf32>
          %parallel_loop3A_274 = vector.broadcast %parallel_loop3A_273 : f32 to vector<16xf32>
          %parallel_loop3A_275 = arith.mulf %parallel_loop3A_158, %parallel_loop3A_274 : vector<16xf32>
          %parallel_loop3A_276 = arith.addf %parallel_loop3A_271, %parallel_loop3A_275 : vector<16xf32>
          %parallel_loop3A_277 = arith.mulf %parallel_loop3A_276, %parallel_loop3A_111 : vector<16xf32>
          %parallel_loop3A_278 = arith.index_cast %parallel_loop3A_85 : i32 to index
          %parallel_loop3A_279 = arith.constant 112 : index
          %parallel_loop3A_280 = tpu.vector_load %arg11[%parallel_loop3A_278, %parallel_loop3A_279] {strides = array<i32>} : memref<80x128xf32, #tpu.memory_space<vmem>>, vector<1x16xf32>,
          %parallel_loop3A_281 = vector.shape_cast %parallel_loop3A_280 : vector<1x16xf32> to vector<16xf32>
          %parallel_loop3A_282 = vector.shape_cast %parallel_loop3A_277 : vector<16xf32> to vector<1x16xf32>
          tpu.vector_store %arg11[%parallel_loop3A_278, %parallel_loop3A_279], %parallel_loop3A_282 {strides = array<i32>} : memref<80x128xf32, #tpu.memory_space<vmem>>, vector<1x16xf32>,
          %parallel_loop3A_283 = arith.constant 2 : i32
          %parallel_loop3A_284 = arith.muli %parallel_loop3A_81, %parallel_loop3A_283 : i32
          %parallel_loop3A_285 = arith.constant 1 : i32
          %parallel_loop3A_286 = arith.addi %parallel_loop3A_284, %parallel_loop3A_285 : i32
          %parallel_loop3A_287 = arith.constant 80 : i32
          %parallel_loop3A_288 = arith.muli %parallel_loop3A_286, %parallel_loop3A_287 : i32
          %parallel_loop3A_289 = arith.index_cast %parallel_loop3A_288 : i32 to index
          %parallel_loop3A_290 = tpu.vector_load %arg9[%parallel_loop3A_289] {strides = array<i32>} : memref<6400xf32, #tpu.memory_space<vmem>>, vector<16xf32>,
          %parallel_loop3A_291 = vector.shape_cast %parallel_loop3A_290 : vector<16xf32> to vector<16xf32>
          %parallel_loop3A_292 = arith.constant 80 : i32
          %parallel_loop3A_293 = arith.muli %parallel_loop3A_286, %parallel_loop3A_292 : i32
          %parallel_loop3A_294 = arith.constant 16 : i32
          %parallel_loop3A_295 = arith.addi %parallel_loop3A_293, %parallel_loop3A_294 : i32
          %parallel_loop3A_296 = arith.index_cast %parallel_loop3A_295 : i32 to index
          %parallel_loop3A_297 = tpu.vector_load %arg9[%parallel_loop3A_296] {strides = array<i32>} : memref<6400xf32, #tpu.memory_space<vmem>>, vector<16xf32>,
          %parallel_loop3A_298 = vector.shape_cast %parallel_loop3A_297 : vector<16xf32> to vector<16xf32>
          %parallel_loop3A_299 = arith.constant 80 : i32
          %parallel_loop3A_300 = arith.muli %parallel_loop3A_286, %parallel_loop3A_299 : i32
          %parallel_loop3A_301 = arith.constant 32 : i32
          %parallel_loop3A_302 = arith.addi %parallel_loop3A_300, %parallel_loop3A_301 : i32
          %parallel_loop3A_303 = arith.index_cast %parallel_loop3A_302 : i32 to index
          %parallel_loop3A_304 = tpu.vector_load %arg9[%parallel_loop3A_303] {strides = array<i32>} : memref<6400xf32, #tpu.memory_space<vmem>>, vector<16xf32>,
          %parallel_loop3A_305 = vector.shape_cast %parallel_loop3A_304 : vector<16xf32> to vector<16xf32>
          %parallel_loop3A_306 = arith.constant 80 : i32
          %parallel_loop3A_307 = arith.muli %parallel_loop3A_286, %parallel_loop3A_306 : i32
          %parallel_loop3A_308 = arith.constant 48 : i32
          %parallel_loop3A_309 = arith.addi %parallel_loop3A_307, %parallel_loop3A_308 : i32
          %parallel_loop3A_310 = arith.index_cast %parallel_loop3A_309 : i32 to index
          %parallel_loop3A_311 = tpu.vector_load %arg9[%parallel_loop3A_310] {strides = array<i32>} : memref<6400xf32, #tpu.memory_space<vmem>>, vector<16xf32>,
          %parallel_loop3A_312 = vector.shape_cast %parallel_loop3A_311 : vector<16xf32> to vector<16xf32>
          %parallel_loop3A_313 = arith.constant 80 : i32
          %parallel_loop3A_314 = arith.muli %parallel_loop3A_286, %parallel_loop3A_313 : i32
          %parallel_loop3A_315 = arith.constant 64 : i32
          %parallel_loop3A_316 = arith.addi %parallel_loop3A_314, %parallel_loop3A_315 : i32
          %parallel_loop3A_317 = arith.index_cast %parallel_loop3A_316 : i32 to index
          %parallel_loop3A_318 = tpu.vector_load %arg9[%parallel_loop3A_317] {strides = array<i32>} : memref<6400xf32, #tpu.memory_space<vmem>>, vector<16xf32>,
          %parallel_loop3A_319 = vector.shape_cast %parallel_loop3A_318 : vector<16xf32> to vector<16xf32>
          %parallel_loop3A_320 = arith.index_cast %rem3A_40 : i32 to index
          %parallel_loop3A_321 = arith.index_cast %parallel_loop3A_286 : i32 to index
          %parallel_loop3A_322 = arith.constant 0 : index
          %parallel_loop3A_323 = tpu.vector_load %arg10[%parallel_loop3A_320, %parallel_loop3A_321, %parallel_loop3A_322] {strides = array<i32>} : memref<2x80x128xf32, #tpu.memory_space<vmem>>, vector<1x1x16xf32>,
          %parallel_loop3A_324 = vector.shape_cast %parallel_loop3A_323 : vector<1x1x16xf32> to vector<16xf32>
          %parallel_loop3A_325 = arith.index_cast %rem3A_40 : i32 to index
          %parallel_loop3A_326 = arith.index_cast %parallel_loop3A_286 : i32 to index
          %parallel_loop3A_327 = arith.constant 16 : index
          %parallel_loop3A_328 = tpu.vector_load %arg10[%parallel_loop3A_325, %parallel_loop3A_326, %parallel_loop3A_327] {strides = array<i32>} : memref<2x80x128xf32, #tpu.memory_space<vmem>>, vector<1x1x16xf32>,
          %parallel_loop3A_329 = vector.shape_cast %parallel_loop3A_328 : vector<1x1x16xf32> to vector<16xf32>
          %parallel_loop3A_330 = arith.index_cast %rem3A_40 : i32 to index
          %parallel_loop3A_331 = arith.index_cast %parallel_loop3A_286 : i32 to index
          %parallel_loop3A_332 = arith.constant 32 : index
          %parallel_loop3A_333 = tpu.vector_load %arg10[%parallel_loop3A_330, %parallel_loop3A_331, %parallel_loop3A_332] {strides = array<i32>} : memref<2x80x128xf32, #tpu.memory_space<vmem>>, vector<1x1x16xf32>,
          %parallel_loop3A_334 = vector.shape_cast %parallel_loop3A_333 : vector<1x1x16xf32> to vector<16xf32>
          %parallel_loop3A_335 = arith.index_cast %rem3A_40 : i32 to index
          %parallel_loop3A_336 = arith.index_cast %parallel_loop3A_286 : i32 to index
          %parallel_loop3A_337 = arith.constant 48 : index
          %parallel_loop3A_338 = tpu.vector_load %arg10[%parallel_loop3A_335, %parallel_loop3A_336, %parallel_loop3A_337] {strides = array<i32>} : memref<2x80x128xf32, #tpu.memory_space<vmem>>, vector<1x1x16xf32>,
          %parallel_loop3A_339 = vector.shape_cast %parallel_loop3A_338 : vector<1x1x16xf32> to vector<16xf32>
          %parallel_loop3A_340 = arith.index_cast %rem3A_40 : i32 to index
          %parallel_loop3A_341 = arith.index_cast %parallel_loop3A_286 : i32 to index
          %parallel_loop3A_342 = arith.constant 64 : index
          %parallel_loop3A_343 = tpu.vector_load %arg10[%parallel_loop3A_340, %parallel_loop3A_341, %parallel_loop3A_342] {strides = array<i32>} : memref<2x80x128xf32, #tpu.memory_space<vmem>>, vector<1x1x16xf32>,
          %parallel_loop3A_344 = vector.shape_cast %parallel_loop3A_343 : vector<1x1x16xf32> to vector<16xf32>
          %parallel_loop3A_345 = arith.index_cast %rem3A_40 : i32 to index
          %parallel_loop3A_346 = arith.index_cast %parallel_loop3A_286 : i32 to index
          %parallel_loop3A_347 = arith.constant 80 : index
          %parallel_loop3A_348 = tpu.vector_load %arg10[%parallel_loop3A_345, %parallel_loop3A_346, %parallel_loop3A_347] {strides = array<i32>} : memref<2x80x128xf32, #tpu.memory_space<vmem>>, vector<1x1x16xf32>,
          %parallel_loop3A_349 = vector.shape_cast %parallel_loop3A_348 : vector<1x1x16xf32> to vector<16xf32>
          %parallel_loop3A_350 = arith.index_cast %rem3A_40 : i32 to index
          %parallel_loop3A_351 = arith.index_cast %parallel_loop3A_286 : i32 to index
          %parallel_loop3A_352 = arith.constant 96 : index
          %parallel_loop3A_353 = tpu.vector_load %arg10[%parallel_loop3A_350, %parallel_loop3A_351, %parallel_loop3A_352] {strides = array<i32>} : memref<2x80x128xf32, #tpu.memory_space<vmem>>, vector<1x1x16xf32>,
          %parallel_loop3A_354 = vector.shape_cast %parallel_loop3A_353 : vector<1x1x16xf32> to vector<16xf32>
          %parallel_loop3A_355 = arith.index_cast %rem3A_40 : i32 to index
          %parallel_loop3A_356 = arith.index_cast %parallel_loop3A_286 : i32 to index
          %parallel_loop3A_357 = arith.constant 112 : index
          %parallel_loop3A_358 = tpu.vector_load %arg10[%parallel_loop3A_355, %parallel_loop3A_356, %parallel_loop3A_357] {strides = array<i32>} : memref<2x80x128xf32, #tpu.memory_space<vmem>>, vector<1x1x16xf32>,
          %parallel_loop3A_359 = vector.shape_cast %parallel_loop3A_358 : vector<1x1x16xf32> to vector<16xf32>
          %parallel_loop3A_360 = arith.mulf %parallel_loop3A_324, %parallel_loop3A_291 : vector<16xf32>
          %parallel_loop3A_361 = arith.index_cast %parallel_loop3A_286 : i32 to index
          %parallel_loop3A_362 = arith.constant 0 : index
          %parallel_loop3A_363 = tpu.vector_load %arg11[%parallel_loop3A_361, %parallel_loop3A_362] {strides = array<i32>} : memref<80x128xf32, #tpu.memory_space<vmem>>, vector<1x16xf32>,
          %parallel_loop3A_364 = vector.shape_cast %parallel_loop3A_363 : vector<1x16xf32> to vector<16xf32>
          %parallel_loop3A_365 = vector.shape_cast %parallel_loop3A_360 : vector<16xf32> to vector<1x16xf32>
          tpu.vector_store %arg11[%parallel_loop3A_361, %parallel_loop3A_362], %parallel_loop3A_365 {strides = array<i32>} : memref<80x128xf32, #tpu.memory_space<vmem>>, vector<1x16xf32>,
          %parallel_loop3A_366 = arith.mulf %parallel_loop3A_329, %parallel_loop3A_298 : vector<16xf32>
          %parallel_loop3A_367 = arith.index_cast %parallel_loop3A_286 : i32 to index
          %parallel_loop3A_368 = arith.constant 16 : index
          %parallel_loop3A_369 = tpu.vector_load %arg11[%parallel_loop3A_367, %parallel_loop3A_368] {strides = array<i32>} : memref<80x128xf32, #tpu.memory_space<vmem>>, vector<1x16xf32>,
          %parallel_loop3A_370 = vector.shape_cast %parallel_loop3A_369 : vector<1x16xf32> to vector<16xf32>
          %parallel_loop3A_371 = vector.shape_cast %parallel_loop3A_366 : vector<16xf32> to vector<1x16xf32>
          tpu.vector_store %arg11[%parallel_loop3A_367, %parallel_loop3A_368], %parallel_loop3A_371 {strides = array<i32>} : memref<80x128xf32, #tpu.memory_space<vmem>>, vector<1x16xf32>,
          %parallel_loop3A_372 = arith.mulf %parallel_loop3A_334, %parallel_loop3A_291 : vector<16xf32>
          %parallel_loop3A_373 = arith.index_cast %parallel_loop3A_286 : i32 to index
          %parallel_loop3A_374 = arith.constant 32 : index
          %parallel_loop3A_375 = tpu.vector_load %arg11[%parallel_loop3A_373, %parallel_loop3A_374] {strides = array<i32>} : memref<80x128xf32, #tpu.memory_space<vmem>>, vector<1x16xf32>,
          %parallel_loop3A_376 = vector.shape_cast %parallel_loop3A_375 : vector<1x16xf32> to vector<16xf32>
          %parallel_loop3A_377 = vector.shape_cast %parallel_loop3A_372 : vector<16xf32> to vector<1x16xf32>
          tpu.vector_store %arg11[%parallel_loop3A_373, %parallel_loop3A_374], %parallel_loop3A_377 {strides = array<i32>} : memref<80x128xf32, #tpu.memory_space<vmem>>, vector<1x16xf32>,
          %parallel_loop3A_378 = arith.mulf %parallel_loop3A_339, %parallel_loop3A_298 : vector<16xf32>
          %parallel_loop3A_379 = arith.index_cast %parallel_loop3A_286 : i32 to index
          %parallel_loop3A_380 = arith.constant 48 : index
          %parallel_loop3A_381 = tpu.vector_load %arg11[%parallel_loop3A_379, %parallel_loop3A_380] {strides = array<i32>} : memref<80x128xf32, #tpu.memory_space<vmem>>, vector<1x16xf32>,
          %parallel_loop3A_382 = vector.shape_cast %parallel_loop3A_381 : vector<1x16xf32> to vector<16xf32>
          %parallel_loop3A_383 = vector.shape_cast %parallel_loop3A_378 : vector<16xf32> to vector<1x16xf32>
          tpu.vector_store %arg11[%parallel_loop3A_379, %parallel_loop3A_380], %parallel_loop3A_383 {strides = array<i32>} : memref<80x128xf32, #tpu.memory_space<vmem>>, vector<1x16xf32>,
          %parallel_loop3A_384 = vector.extract_strided_slice %parallel_loop3A_319 {offsets = [0], sizes = [1], strides = [1]} : vector<16xf32> to vector<1xf32>
          %parallel_loop3A_385 = vector.extract %parallel_loop3A_384[0] : f32 from vector<1xf32>
          %parallel_loop3A_386 = vector.broadcast %parallel_loop3A_385 : f32 to vector<16xf32>
          %parallel_loop3A_387 = arith.mulf %parallel_loop3A_324, %parallel_loop3A_386 : vector<16xf32>
          %parallel_loop3A_388 = vector.extract_strided_slice %parallel_loop3A_319 {offsets = [1], sizes = [1], strides = [1]} : vector<16xf32> to vector<1xf32>
          %parallel_loop3A_389 = vector.extract %parallel_loop3A_388[0] : f32 from vector<1xf32>
          %parallel_loop3A_390 = vector.broadcast %parallel_loop3A_389 : f32 to vector<16xf32>
          %parallel_loop3A_391 = arith.mulf %parallel_loop3A_334, %parallel_loop3A_390 : vector<16xf32>
          %parallel_loop3A_392 = arith.addf %parallel_loop3A_387, %parallel_loop3A_391 : vector<16xf32>
          %parallel_loop3A_393 = vector.extract_strided_slice %parallel_loop3A_319 {offsets = [2], sizes = [1], strides = [1]} : vector<16xf32> to vector<1xf32>
          %parallel_loop3A_394 = vector.extract %parallel_loop3A_393[0] : f32 from vector<1xf32>
          %parallel_loop3A_395 = vector.broadcast %parallel_loop3A_394 : f32 to vector<16xf32>
          %parallel_loop3A_396 = arith.mulf %parallel_loop3A_344, %parallel_loop3A_395 : vector<16xf32>
          %parallel_loop3A_397 = arith.addf %parallel_loop3A_392, %parallel_loop3A_396 : vector<16xf32>
          %parallel_loop3A_398 = vector.extract_strided_slice %parallel_loop3A_319 {offsets = [3], sizes = [1], strides = [1]} : vector<16xf32> to vector<1xf32>
          %parallel_loop3A_399 = vector.extract %parallel_loop3A_398[0] : f32 from vector<1xf32>
          %parallel_loop3A_400 = vector.broadcast %parallel_loop3A_399 : f32 to vector<16xf32>
          %parallel_loop3A_401 = arith.mulf %parallel_loop3A_354, %parallel_loop3A_400 : vector<16xf32>
          %parallel_loop3A_402 = arith.addf %parallel_loop3A_397, %parallel_loop3A_401 : vector<16xf32>
          %parallel_loop3A_403 = arith.mulf %parallel_loop3A_402, %parallel_loop3A_305 : vector<16xf32>
          %parallel_loop3A_404 = arith.index_cast %parallel_loop3A_286 : i32 to index
          %parallel_loop3A_405 = arith.constant 64 : index
          %parallel_loop3A_406 = tpu.vector_load %arg11[%parallel_loop3A_404, %parallel_loop3A_405] {strides = array<i32>} : memref<80x128xf32, #tpu.memory_space<vmem>>, vector<1x16xf32>,
          %parallel_loop3A_407 = vector.shape_cast %parallel_loop3A_406 : vector<1x16xf32> to vector<16xf32>
          %parallel_loop3A_408 = vector.shape_cast %parallel_loop3A_403 : vector<16xf32> to vector<1x16xf32>
          tpu.vector_store %arg11[%parallel_loop3A_404, %parallel_loop3A_405], %parallel_loop3A_408 {strides = array<i32>} : memref<80x128xf32, #tpu.memory_space<vmem>>, vector<1x16xf32>,
          %parallel_loop3A_409 = vector.extract_strided_slice %parallel_loop3A_319 {offsets = [0], sizes = [1], strides = [1]} : vector<16xf32> to vector<1xf32>
          %parallel_loop3A_410 = vector.extract %parallel_loop3A_409[0] : f32 from vector<1xf32>
          %parallel_loop3A_411 = vector.broadcast %parallel_loop3A_410 : f32 to vector<16xf32>
          %parallel_loop3A_412 = arith.mulf %parallel_loop3A_329, %parallel_loop3A_411 : vector<16xf32>
          %parallel_loop3A_413 = vector.extract_strided_slice %parallel_loop3A_319 {offsets = [1], sizes = [1], strides = [1]} : vector<16xf32> to vector<1xf32>
          %parallel_loop3A_414 = vector.extract %parallel_loop3A_413[0] : f32 from vector<1xf32>
          %parallel_loop3A_415 = vector.broadcast %parallel_loop3A_414 : f32 to vector<16xf32>
          %parallel_loop3A_416 = arith.mulf %parallel_loop3A_339, %parallel_loop3A_415 : vector<16xf32>
          %parallel_loop3A_417 = arith.addf %parallel_loop3A_412, %parallel_loop3A_416 : vector<16xf32>
          %parallel_loop3A_418 = vector.extract_strided_slice %parallel_loop3A_319 {offsets = [2], sizes = [1], strides = [1]} : vector<16xf32> to vector<1xf32>
          %parallel_loop3A_419 = vector.extract %parallel_loop3A_418[0] : f32 from vector<1xf32>
          %parallel_loop3A_420 = vector.broadcast %parallel_loop3A_419 : f32 to vector<16xf32>
          %parallel_loop3A_421 = arith.mulf %parallel_loop3A_349, %parallel_loop3A_420 : vector<16xf32>
          %parallel_loop3A_422 = arith.addf %parallel_loop3A_417, %parallel_loop3A_421 : vector<16xf32>
          %parallel_loop3A_423 = vector.extract_strided_slice %parallel_loop3A_319 {offsets = [3], sizes = [1], strides = [1]} : vector<16xf32> to vector<1xf32>
          %parallel_loop3A_424 = vector.extract %parallel_loop3A_423[0] : f32 from vector<1xf32>
          %parallel_loop3A_425 = vector.broadcast %parallel_loop3A_424 : f32 to vector<16xf32>
          %parallel_loop3A_426 = arith.mulf %parallel_loop3A_359, %parallel_loop3A_425 : vector<16xf32>
          %parallel_loop3A_427 = arith.addf %parallel_loop3A_422, %parallel_loop3A_426 : vector<16xf32>
          %parallel_loop3A_428 = arith.mulf %parallel_loop3A_427, %parallel_loop3A_312 : vector<16xf32>
          %parallel_loop3A_429 = arith.index_cast %parallel_loop3A_286 : i32 to index
          %parallel_loop3A_430 = arith.constant 80 : index
          %parallel_loop3A_431 = tpu.vector_load %arg11[%parallel_loop3A_429, %parallel_loop3A_430] {strides = array<i32>} : memref<80x128xf32, #tpu.memory_space<vmem>>, vector<1x16xf32>,
          %parallel_loop3A_432 = vector.shape_cast %parallel_loop3A_431 : vector<1x16xf32> to vector<16xf32>
          %parallel_loop3A_433 = vector.shape_cast %parallel_loop3A_428 : vector<16xf32> to vector<1x16xf32>
          tpu.vector_store %arg11[%parallel_loop3A_429, %parallel_loop3A_430], %parallel_loop3A_433 {strides = array<i32>} : memref<80x128xf32, #tpu.memory_space<vmem>>, vector<1x16xf32>,
          %parallel_loop3A_434 = vector.extract_strided_slice %parallel_loop3A_319 {offsets = [4], sizes = [1], strides = [1]} : vector<16xf32> to vector<1xf32>
          %parallel_loop3A_435 = vector.extract %parallel_loop3A_434[0] : f32 from vector<1xf32>
          %parallel_loop3A_436 = vector.broadcast %parallel_loop3A_435 : f32 to vector<16xf32>
          %parallel_loop3A_437 = arith.mulf %parallel_loop3A_324, %parallel_loop3A_436 : vector<16xf32>
          %parallel_loop3A_438 = vector.extract_strided_slice %parallel_loop3A_319 {offsets = [5], sizes = [1], strides = [1]} : vector<16xf32> to vector<1xf32>
          %parallel_loop3A_439 = vector.extract %parallel_loop3A_438[0] : f32 from vector<1xf32>
          %parallel_loop3A_440 = vector.broadcast %parallel_loop3A_439 : f32 to vector<16xf32>
          %parallel_loop3A_441 = arith.mulf %parallel_loop3A_334, %parallel_loop3A_440 : vector<16xf32>
          %parallel_loop3A_442 = arith.addf %parallel_loop3A_437, %parallel_loop3A_441 : vector<16xf32>
          %parallel_loop3A_443 = vector.extract_strided_slice %parallel_loop3A_319 {offsets = [6], sizes = [1], strides = [1]} : vector<16xf32> to vector<1xf32>
          %parallel_loop3A_444 = vector.extract %parallel_loop3A_443[0] : f32 from vector<1xf32>
          %parallel_loop3A_445 = vector.broadcast %parallel_loop3A_444 : f32 to vector<16xf32>
          %parallel_loop3A_446 = arith.mulf %parallel_loop3A_344, %parallel_loop3A_445 : vector<16xf32>
          %parallel_loop3A_447 = arith.addf %parallel_loop3A_442, %parallel_loop3A_446 : vector<16xf32>
          %parallel_loop3A_448 = vector.extract_strided_slice %parallel_loop3A_319 {offsets = [7], sizes = [1], strides = [1]} : vector<16xf32> to vector<1xf32>
          %parallel_loop3A_449 = vector.extract %parallel_loop3A_448[0] : f32 from vector<1xf32>
          %parallel_loop3A_450 = vector.broadcast %parallel_loop3A_449 : f32 to vector<16xf32>
          %parallel_loop3A_451 = arith.mulf %parallel_loop3A_354, %parallel_loop3A_450 : vector<16xf32>
          %parallel_loop3A_452 = arith.addf %parallel_loop3A_447, %parallel_loop3A_451 : vector<16xf32>
          %parallel_loop3A_453 = arith.mulf %parallel_loop3A_452, %parallel_loop3A_305 : vector<16xf32>
          %parallel_loop3A_454 = arith.index_cast %parallel_loop3A_286 : i32 to index
          %parallel_loop3A_455 = arith.constant 96 : index
          %parallel_loop3A_456 = tpu.vector_load %arg11[%parallel_loop3A_454, %parallel_loop3A_455] {strides = array<i32>} : memref<80x128xf32, #tpu.memory_space<vmem>>, vector<1x16xf32>,
          %parallel_loop3A_457 = vector.shape_cast %parallel_loop3A_456 : vector<1x16xf32> to vector<16xf32>
          %parallel_loop3A_458 = vector.shape_cast %parallel_loop3A_453 : vector<16xf32> to vector<1x16xf32>
          tpu.vector_store %arg11[%parallel_loop3A_454, %parallel_loop3A_455], %parallel_loop3A_458 {strides = array<i32>} : memref<80x128xf32, #tpu.memory_space<vmem>>, vector<1x16xf32>,
          %parallel_loop3A_459 = vector.extract_strided_slice %parallel_loop3A_319 {offsets = [4], sizes = [1], strides = [1]} : vector<16xf32> to vector<1xf32>
          %parallel_loop3A_460 = vector.extract %parallel_loop3A_459[0] : f32 from vector<1xf32>
          %parallel_loop3A_461 = vector.broadcast %parallel_loop3A_460 : f32 to vector<16xf32>
          %parallel_loop3A_462 = arith.mulf %parallel_loop3A_329, %parallel_loop3A_461 : vector<16xf32>
          %parallel_loop3A_463 = vector.extract_strided_slice %parallel_loop3A_319 {offsets = [5], sizes = [1], strides = [1]} : vector<16xf32> to vector<1xf32>
          %parallel_loop3A_464 = vector.extract %parallel_loop3A_463[0] : f32 from vector<1xf32>
          %parallel_loop3A_465 = vector.broadcast %parallel_loop3A_464 : f32 to vector<16xf32>
          %parallel_loop3A_466 = arith.mulf %parallel_loop3A_339, %parallel_loop3A_465 : vector<16xf32>
          %parallel_loop3A_467 = arith.addf %parallel_loop3A_462, %parallel_loop3A_466 : vector<16xf32>
          %parallel_loop3A_468 = vector.extract_strided_slice %parallel_loop3A_319 {offsets = [6], sizes = [1], strides = [1]} : vector<16xf32> to vector<1xf32>
          %parallel_loop3A_469 = vector.extract %parallel_loop3A_468[0] : f32 from vector<1xf32>
          %parallel_loop3A_470 = vector.broadcast %parallel_loop3A_469 : f32 to vector<16xf32>
          %parallel_loop3A_471 = arith.mulf %parallel_loop3A_349, %parallel_loop3A_470 : vector<16xf32>
          %parallel_loop3A_472 = arith.addf %parallel_loop3A_467, %parallel_loop3A_471 : vector<16xf32>
          %parallel_loop3A_473 = vector.extract_strided_slice %parallel_loop3A_319 {offsets = [7], sizes = [1], strides = [1]} : vector<16xf32> to vector<1xf32>
          %parallel_loop3A_474 = vector.extract %parallel_loop3A_473[0] : f32 from vector<1xf32>
          %parallel_loop3A_475 = vector.broadcast %parallel_loop3A_474 : f32 to vector<16xf32>
          %parallel_loop3A_476 = arith.mulf %parallel_loop3A_359, %parallel_loop3A_475 : vector<16xf32>
          %parallel_loop3A_477 = arith.addf %parallel_loop3A_472, %parallel_loop3A_476 : vector<16xf32>
          %parallel_loop3A_478 = arith.mulf %parallel_loop3A_477, %parallel_loop3A_312 : vector<16xf32>
          %parallel_loop3A_479 = arith.index_cast %parallel_loop3A_286 : i32 to index
          %parallel_loop3A_480 = arith.constant 112 : index
          %parallel_loop3A_481 = tpu.vector_load %arg11[%parallel_loop3A_479, %parallel_loop3A_480] {strides = array<i32>} : memref<80x128xf32, #tpu.memory_space<vmem>>, vector<1x16xf32>,
          %parallel_loop3A_482 = vector.shape_cast %parallel_loop3A_481 : vector<1x16xf32> to vector<16xf32>
          %parallel_loop3A_483 = vector.shape_cast %parallel_loop3A_478 : vector<16xf32> to vector<1x16xf32>
          tpu.vector_store %arg11[%parallel_loop3A_479, %parallel_loop3A_480], %parallel_loop3A_483 {strides = array<i32>} : memref<80x128xf32, #tpu.memory_space<vmem>>, vector<1x16xf32>,
        } {sc.loop_unroll_factor = 2 : i64, sc.parallel_access}
      } else {
      }
      %eq3A_68 = arith.constant 1 : i32
      %eq3A_69 = arith.cmpi eq, %arg0, %eq3A_68 : i32
      %convert_element_type3A_70 = arith.extui %eq3A_69 : i1 to i32
      %cond3A_71 = arith.constant 0 : i32
      %cond3A_72 = arith.cmpi ne, %convert_element_type3A_70, %cond3A_71 : i32
      scf.if %cond3A_72 {
        %parallel_loop3A = arith.constant 0 : i32
        %parallel_loop3A_79 = arith.constant 40 : i32
        %parallel_loop3A_80 = arith.constant 1 : i32
        scf.for %parallel_loop3A_81 = %parallel_loop3A to %parallel_loop3A_79 step %parallel_loop3A_80  : i32 {
          %parallel_loop3A_82 = arith.constant 2 : i32
          %parallel_loop3A_83 = arith.muli %parallel_loop3A_81, %parallel_loop3A_82 : i32
          %parallel_loop3A_84 = arith.constant 0 : i32
          %parallel_loop3A_85 = arith.addi %parallel_loop3A_83, %parallel_loop3A_84 : i32
          %parallel_loop3A_86 = arith.constant 80 : i32
          %parallel_loop3A_87 = arith.muli %parallel_loop3A_85, %parallel_loop3A_86 : i32
          %parallel_loop3A_88 = arith.index_cast %parallel_loop3A_87 : i32 to index
          %parallel_loop3A_89 = tpu.vector_load %arg9[%parallel_loop3A_88] {strides = array<i32>} : memref<6400xf32, #tpu.memory_space<vmem>>, vector<16xf32>,
          %parallel_loop3A_90 = vector.shape_cast %parallel_loop3A_89 : vector<16xf32> to vector<16xf32>
          %parallel_loop3A_91 = arith.constant 80 : i32
          %parallel_loop3A_92 = arith.muli %parallel_loop3A_85, %parallel_loop3A_91 : i32
          %parallel_loop3A_93 = arith.constant 16 : i32
          %parallel_loop3A_94 = arith.addi %parallel_loop3A_92, %parallel_loop3A_93 : i32
          %parallel_loop3A_95 = arith.index_cast %parallel_loop3A_94 : i32 to index
          %parallel_loop3A_96 = tpu.vector_load %arg9[%parallel_loop3A_95] {strides = array<i32>} : memref<6400xf32, #tpu.memory_space<vmem>>, vector<16xf32>,
          %parallel_loop3A_97 = vector.shape_cast %parallel_loop3A_96 : vector<16xf32> to vector<16xf32>
          %parallel_loop3A_98 = arith.constant 80 : i32
          %parallel_loop3A_99 = arith.muli %parallel_loop3A_85, %parallel_loop3A_98 : i32
          %parallel_loop3A_100 = arith.constant 32 : i32
          %parallel_loop3A_101 = arith.addi %parallel_loop3A_99, %parallel_loop3A_100 : i32
          %parallel_loop3A_102 = arith.index_cast %parallel_loop3A_101 : i32 to index
          %parallel_loop3A_103 = tpu.vector_load %arg9[%parallel_loop3A_102] {strides = array<i32>} : memref<6400xf32, #tpu.memory_space<vmem>>, vector<16xf32>,
          %parallel_loop3A_104 = vector.shape_cast %parallel_loop3A_103 : vector<16xf32> to vector<16xf32>
          %parallel_loop3A_105 = arith.constant 80 : i32
          %parallel_loop3A_106 = arith.muli %parallel_loop3A_85, %parallel_loop3A_105 : i32
          %parallel_loop3A_107 = arith.constant 48 : i32
          %parallel_loop3A_108 = arith.addi %parallel_loop3A_106, %parallel_loop3A_107 : i32
          %parallel_loop3A_109 = arith.index_cast %parallel_loop3A_108 : i32 to index
          %parallel_loop3A_110 = tpu.vector_load %arg9[%parallel_loop3A_109] {strides = array<i32>} : memref<6400xf32, #tpu.memory_space<vmem>>, vector<16xf32>,
          %parallel_loop3A_111 = vector.shape_cast %parallel_loop3A_110 : vector<16xf32> to vector<16xf32>
          %parallel_loop3A_112 = arith.constant 80 : i32
          %parallel_loop3A_113 = arith.muli %parallel_loop3A_85, %parallel_loop3A_112 : i32
          %parallel_loop3A_114 = arith.constant 64 : i32
          %parallel_loop3A_115 = arith.addi %parallel_loop3A_113, %parallel_loop3A_114 : i32
          %parallel_loop3A_116 = arith.index_cast %parallel_loop3A_115 : i32 to index
          %parallel_loop3A_117 = tpu.vector_load %arg9[%parallel_loop3A_116] {strides = array<i32>} : memref<6400xf32, #tpu.memory_space<vmem>>, vector<16xf32>,
          %parallel_loop3A_118 = vector.shape_cast %parallel_loop3A_117 : vector<16xf32> to vector<16xf32>
          %parallel_loop3A_119 = arith.index_cast %rem3A_40 : i32 to index
          %parallel_loop3A_120 = arith.index_cast %parallel_loop3A_85 : i32 to index
          %parallel_loop3A_121 = arith.constant 0 : index
          %parallel_loop3A_122 = tpu.vector_load %arg10[%parallel_loop3A_119, %parallel_loop3A_120, %parallel_loop3A_121] {strides = array<i32>} : memref<2x80x128xf32, #tpu.memory_space<vmem>>, vector<1x1x16xf32>,
          %parallel_loop3A_123 = vector.shape_cast %parallel_loop3A_122 : vector<1x1x16xf32> to vector<16xf32>
          %parallel_loop3A_124 = arith.index_cast %rem3A_40 : i32 to index
          %parallel_loop3A_125 = arith.index_cast %parallel_loop3A_85 : i32 to index
          %parallel_loop3A_126 = arith.constant 16 : index
          %parallel_loop3A_127 = tpu.vector_load %arg10[%parallel_loop3A_124, %parallel_loop3A_125, %parallel_loop3A_126] {strides = array<i32>} : memref<2x80x128xf32, #tpu.memory_space<vmem>>, vector<1x1x16xf32>,
          %parallel_loop3A_128 = vector.shape_cast %parallel_loop3A_127 : vector<1x1x16xf32> to vector<16xf32>
          %parallel_loop3A_129 = arith.index_cast %rem3A_40 : i32 to index
          %parallel_loop3A_130 = arith.index_cast %parallel_loop3A_85 : i32 to index
          %parallel_loop3A_131 = arith.constant 32 : index
          %parallel_loop3A_132 = tpu.vector_load %arg10[%parallel_loop3A_129, %parallel_loop3A_130, %parallel_loop3A_131] {strides = array<i32>} : memref<2x80x128xf32, #tpu.memory_space<vmem>>, vector<1x1x16xf32>,
          %parallel_loop3A_133 = vector.shape_cast %parallel_loop3A_132 : vector<1x1x16xf32> to vector<16xf32>
          %parallel_loop3A_134 = arith.index_cast %rem3A_40 : i32 to index
          %parallel_loop3A_135 = arith.index_cast %parallel_loop3A_85 : i32 to index
          %parallel_loop3A_136 = arith.constant 48 : index
          %parallel_loop3A_137 = tpu.vector_load %arg10[%parallel_loop3A_134, %parallel_loop3A_135, %parallel_loop3A_136] {strides = array<i32>} : memref<2x80x128xf32, #tpu.memory_space<vmem>>, vector<1x1x16xf32>,
          %parallel_loop3A_138 = vector.shape_cast %parallel_loop3A_137 : vector<1x1x16xf32> to vector<16xf32>
          %parallel_loop3A_139 = arith.index_cast %rem3A_40 : i32 to index
          %parallel_loop3A_140 = arith.index_cast %parallel_loop3A_85 : i32 to index
          %parallel_loop3A_141 = arith.constant 64 : index
          %parallel_loop3A_142 = tpu.vector_load %arg10[%parallel_loop3A_139, %parallel_loop3A_140, %parallel_loop3A_141] {strides = array<i32>} : memref<2x80x128xf32, #tpu.memory_space<vmem>>, vector<1x1x16xf32>,
          %parallel_loop3A_143 = vector.shape_cast %parallel_loop3A_142 : vector<1x1x16xf32> to vector<16xf32>
          %parallel_loop3A_144 = arith.index_cast %rem3A_40 : i32 to index
          %parallel_loop3A_145 = arith.index_cast %parallel_loop3A_85 : i32 to index
          %parallel_loop3A_146 = arith.constant 80 : index
          %parallel_loop3A_147 = tpu.vector_load %arg10[%parallel_loop3A_144, %parallel_loop3A_145, %parallel_loop3A_146] {strides = array<i32>} : memref<2x80x128xf32, #tpu.memory_space<vmem>>, vector<1x1x16xf32>,
          %parallel_loop3A_148 = vector.shape_cast %parallel_loop3A_147 : vector<1x1x16xf32> to vector<16xf32>
          %parallel_loop3A_149 = arith.index_cast %rem3A_40 : i32 to index
          %parallel_loop3A_150 = arith.index_cast %parallel_loop3A_85 : i32 to index
          %parallel_loop3A_151 = arith.constant 96 : index
          %parallel_loop3A_152 = tpu.vector_load %arg10[%parallel_loop3A_149, %parallel_loop3A_150, %parallel_loop3A_151] {strides = array<i32>} : memref<2x80x128xf32, #tpu.memory_space<vmem>>, vector<1x1x16xf32>,
          %parallel_loop3A_153 = vector.shape_cast %parallel_loop3A_152 : vector<1x1x16xf32> to vector<16xf32>
          %parallel_loop3A_154 = arith.index_cast %rem3A_40 : i32 to index
          %parallel_loop3A_155 = arith.index_cast %parallel_loop3A_85 : i32 to index
          %parallel_loop3A_156 = arith.constant 112 : index
          %parallel_loop3A_157 = tpu.vector_load %arg10[%parallel_loop3A_154, %parallel_loop3A_155, %parallel_loop3A_156] {strides = array<i32>} : memref<2x80x128xf32, #tpu.memory_space<vmem>>, vector<1x1x16xf32>,
          %parallel_loop3A_158 = vector.shape_cast %parallel_loop3A_157 : vector<1x1x16xf32> to vector<16xf32>
          %parallel_loop3A_159 = arith.mulf %parallel_loop3A_143, %parallel_loop3A_90 : vector<16xf32>
          %parallel_loop3A_160 = arith.index_cast %parallel_loop3A_85 : i32 to index
          %parallel_loop3A_161 = arith.constant 0 : index
          %parallel_loop3A_162 = tpu.vector_load %arg11[%parallel_loop3A_160, %parallel_loop3A_161] {strides = array<i32>} : memref<80x128xf32, #tpu.memory_space<vmem>>, vector<1x16xf32>,
          %parallel_loop3A_163 = vector.shape_cast %parallel_loop3A_162 : vector<1x16xf32> to vector<16xf32>
          %parallel_loop3A_164 = vector.shape_cast %parallel_loop3A_159 : vector<16xf32> to vector<1x16xf32>
          tpu.vector_store %arg11[%parallel_loop3A_160, %parallel_loop3A_161], %parallel_loop3A_164 {strides = array<i32>} : memref<80x128xf32, #tpu.memory_space<vmem>>, vector<1x16xf32>,
          %parallel_loop3A_165 = arith.mulf %parallel_loop3A_148, %parallel_loop3A_97 : vector<16xf32>
          %parallel_loop3A_166 = arith.index_cast %parallel_loop3A_85 : i32 to index
          %parallel_loop3A_167 = arith.constant 16 : index
          %parallel_loop3A_168 = tpu.vector_load %arg11[%parallel_loop3A_166, %parallel_loop3A_167] {strides = array<i32>} : memref<80x128xf32, #tpu.memory_space<vmem>>, vector<1x16xf32>,
          %parallel_loop3A_169 = vector.shape_cast %parallel_loop3A_168 : vector<1x16xf32> to vector<16xf32>
          %parallel_loop3A_170 = vector.shape_cast %parallel_loop3A_165 : vector<16xf32> to vector<1x16xf32>
          tpu.vector_store %arg11[%parallel_loop3A_166, %parallel_loop3A_167], %parallel_loop3A_170 {strides = array<i32>} : memref<80x128xf32, #tpu.memory_space<vmem>>, vector<1x16xf32>,
          %parallel_loop3A_171 = arith.mulf %parallel_loop3A_153, %parallel_loop3A_90 : vector<16xf32>
          %parallel_loop3A_172 = arith.index_cast %parallel_loop3A_85 : i32 to index
          %parallel_loop3A_173 = arith.constant 32 : index
          %parallel_loop3A_174 = tpu.vector_load %arg11[%parallel_loop3A_172, %parallel_loop3A_173] {strides = array<i32>} : memref<80x128xf32, #tpu.memory_space<vmem>>, vector<1x16xf32>,
          %parallel_loop3A_175 = vector.shape_cast %parallel_loop3A_174 : vector<1x16xf32> to vector<16xf32>
          %parallel_loop3A_176 = vector.shape_cast %parallel_loop3A_171 : vector<16xf32> to vector<1x16xf32>
          tpu.vector_store %arg11[%parallel_loop3A_172, %parallel_loop3A_173], %parallel_loop3A_176 {strides = array<i32>} : memref<80x128xf32, #tpu.memory_space<vmem>>, vector<1x16xf32>,
          %parallel_loop3A_177 = arith.mulf %parallel_loop3A_158, %parallel_loop3A_97 : vector<16xf32>
          %parallel_loop3A_178 = arith.index_cast %parallel_loop3A_85 : i32 to index
          %parallel_loop3A_179 = arith.constant 48 : index
          %parallel_loop3A_180 = tpu.vector_load %arg11[%parallel_loop3A_178, %parallel_loop3A_179] {strides = array<i32>} : memref<80x128xf32, #tpu.memory_space<vmem>>, vector<1x16xf32>,
          %parallel_loop3A_181 = vector.shape_cast %parallel_loop3A_180 : vector<1x16xf32> to vector<16xf32>
          %parallel_loop3A_182 = vector.shape_cast %parallel_loop3A_177 : vector<16xf32> to vector<1x16xf32>
          tpu.vector_store %arg11[%parallel_loop3A_178, %parallel_loop3A_179], %parallel_loop3A_182 {strides = array<i32>} : memref<80x128xf32, #tpu.memory_space<vmem>>, vector<1x16xf32>,
          %parallel_loop3A_183 = vector.extract_strided_slice %parallel_loop3A_118 {offsets = [8], sizes = [1], strides = [1]} : vector<16xf32> to vector<1xf32>
          %parallel_loop3A_184 = vector.extract %parallel_loop3A_183[0] : f32 from vector<1xf32>
          %parallel_loop3A_185 = vector.broadcast %parallel_loop3A_184 : f32 to vector<16xf32>
          %parallel_loop3A_186 = arith.mulf %parallel_loop3A_123, %parallel_loop3A_185 : vector<16xf32>
          %parallel_loop3A_187 = vector.extract_strided_slice %parallel_loop3A_118 {offsets = [9], sizes = [1], strides = [1]} : vector<16xf32> to vector<1xf32>
          %parallel_loop3A_188 = vector.extract %parallel_loop3A_187[0] : f32 from vector<1xf32>
          %parallel_loop3A_189 = vector.broadcast %parallel_loop3A_188 : f32 to vector<16xf32>
          %parallel_loop3A_190 = arith.mulf %parallel_loop3A_133, %parallel_loop3A_189 : vector<16xf32>
          %parallel_loop3A_191 = arith.addf %parallel_loop3A_186, %parallel_loop3A_190 : vector<16xf32>
          %parallel_loop3A_192 = vector.extract_strided_slice %parallel_loop3A_118 {offsets = [10], sizes = [1], strides = [1]} : vector<16xf32> to vector<1xf32>
          %parallel_loop3A_193 = vector.extract %parallel_loop3A_192[0] : f32 from vector<1xf32>
          %parallel_loop3A_194 = vector.broadcast %parallel_loop3A_193 : f32 to vector<16xf32>
          %parallel_loop3A_195 = arith.mulf %parallel_loop3A_143, %parallel_loop3A_194 : vector<16xf32>
          %parallel_loop3A_196 = arith.addf %parallel_loop3A_191, %parallel_loop3A_195 : vector<16xf32>
          %parallel_loop3A_197 = vector.extract_strided_slice %parallel_loop3A_118 {offsets = [11], sizes = [1], strides = [1]} : vector<16xf32> to vector<1xf32>
          %parallel_loop3A_198 = vector.extract %parallel_loop3A_197[0] : f32 from vector<1xf32>
          %parallel_loop3A_199 = vector.broadcast %parallel_loop3A_198 : f32 to vector<16xf32>
          %parallel_loop3A_200 = arith.mulf %parallel_loop3A_153, %parallel_loop3A_199 : vector<16xf32>
          %parallel_loop3A_201 = arith.addf %parallel_loop3A_196, %parallel_loop3A_200 : vector<16xf32>
          %parallel_loop3A_202 = arith.mulf %parallel_loop3A_201, %parallel_loop3A_104 : vector<16xf32>
          %parallel_loop3A_203 = arith.index_cast %parallel_loop3A_85 : i32 to index
          %parallel_loop3A_204 = arith.constant 64 : index
          %parallel_loop3A_205 = tpu.vector_load %arg11[%parallel_loop3A_203, %parallel_loop3A_204] {strides = array<i32>} : memref<80x128xf32, #tpu.memory_space<vmem>>, vector<1x16xf32>,
          %parallel_loop3A_206 = vector.shape_cast %parallel_loop3A_205 : vector<1x16xf32> to vector<16xf32>
          %parallel_loop3A_207 = vector.shape_cast %parallel_loop3A_202 : vector<16xf32> to vector<1x16xf32>
          tpu.vector_store %arg11[%parallel_loop3A_203, %parallel_loop3A_204], %parallel_loop3A_207 {strides = array<i32>} : memref<80x128xf32, #tpu.memory_space<vmem>>, vector<1x16xf32>,
          %parallel_loop3A_208 = vector.extract_strided_slice %parallel_loop3A_118 {offsets = [8], sizes = [1], strides = [1]} : vector<16xf32> to vector<1xf32>
          %parallel_loop3A_209 = vector.extract %parallel_loop3A_208[0] : f32 from vector<1xf32>
          %parallel_loop3A_210 = vector.broadcast %parallel_loop3A_209 : f32 to vector<16xf32>
          %parallel_loop3A_211 = arith.mulf %parallel_loop3A_128, %parallel_loop3A_210 : vector<16xf32>
          %parallel_loop3A_212 = vector.extract_strided_slice %parallel_loop3A_118 {offsets = [9], sizes = [1], strides = [1]} : vector<16xf32> to vector<1xf32>
          %parallel_loop3A_213 = vector.extract %parallel_loop3A_212[0] : f32 from vector<1xf32>
          %parallel_loop3A_214 = vector.broadcast %parallel_loop3A_213 : f32 to vector<16xf32>
          %parallel_loop3A_215 = arith.mulf %parallel_loop3A_138, %parallel_loop3A_214 : vector<16xf32>
          %parallel_loop3A_216 = arith.addf %parallel_loop3A_211, %parallel_loop3A_215 : vector<16xf32>
          %parallel_loop3A_217 = vector.extract_strided_slice %parallel_loop3A_118 {offsets = [10], sizes = [1], strides = [1]} : vector<16xf32> to vector<1xf32>
          %parallel_loop3A_218 = vector.extract %parallel_loop3A_217[0] : f32 from vector<1xf32>
          %parallel_loop3A_219 = vector.broadcast %parallel_loop3A_218 : f32 to vector<16xf32>
          %parallel_loop3A_220 = arith.mulf %parallel_loop3A_148, %parallel_loop3A_219 : vector<16xf32>
          %parallel_loop3A_221 = arith.addf %parallel_loop3A_216, %parallel_loop3A_220 : vector<16xf32>
          %parallel_loop3A_222 = vector.extract_strided_slice %parallel_loop3A_118 {offsets = [11], sizes = [1], strides = [1]} : vector<16xf32> to vector<1xf32>
          %parallel_loop3A_223 = vector.extract %parallel_loop3A_222[0] : f32 from vector<1xf32>
          %parallel_loop3A_224 = vector.broadcast %parallel_loop3A_223 : f32 to vector<16xf32>
          %parallel_loop3A_225 = arith.mulf %parallel_loop3A_158, %parallel_loop3A_224 : vector<16xf32>
          %parallel_loop3A_226 = arith.addf %parallel_loop3A_221, %parallel_loop3A_225 : vector<16xf32>
          %parallel_loop3A_227 = arith.mulf %parallel_loop3A_226, %parallel_loop3A_111 : vector<16xf32>
          %parallel_loop3A_228 = arith.index_cast %parallel_loop3A_85 : i32 to index
          %parallel_loop3A_229 = arith.constant 80 : index
          %parallel_loop3A_230 = tpu.vector_load %arg11[%parallel_loop3A_228, %parallel_loop3A_229] {strides = array<i32>} : memref<80x128xf32, #tpu.memory_space<vmem>>, vector<1x16xf32>,
          %parallel_loop3A_231 = vector.shape_cast %parallel_loop3A_230 : vector<1x16xf32> to vector<16xf32>
          %parallel_loop3A_232 = vector.shape_cast %parallel_loop3A_227 : vector<16xf32> to vector<1x16xf32>
          tpu.vector_store %arg11[%parallel_loop3A_228, %parallel_loop3A_229], %parallel_loop3A_232 {strides = array<i32>} : memref<80x128xf32, #tpu.memory_space<vmem>>, vector<1x16xf32>,
          %parallel_loop3A_233 = vector.extract_strided_slice %parallel_loop3A_118 {offsets = [12], sizes = [1], strides = [1]} : vector<16xf32> to vector<1xf32>
          %parallel_loop3A_234 = vector.extract %parallel_loop3A_233[0] : f32 from vector<1xf32>
          %parallel_loop3A_235 = vector.broadcast %parallel_loop3A_234 : f32 to vector<16xf32>
          %parallel_loop3A_236 = arith.mulf %parallel_loop3A_123, %parallel_loop3A_235 : vector<16xf32>
          %parallel_loop3A_237 = vector.extract_strided_slice %parallel_loop3A_118 {offsets = [13], sizes = [1], strides = [1]} : vector<16xf32> to vector<1xf32>
          %parallel_loop3A_238 = vector.extract %parallel_loop3A_237[0] : f32 from vector<1xf32>
          %parallel_loop3A_239 = vector.broadcast %parallel_loop3A_238 : f32 to vector<16xf32>
          %parallel_loop3A_240 = arith.mulf %parallel_loop3A_133, %parallel_loop3A_239 : vector<16xf32>
          %parallel_loop3A_241 = arith.addf %parallel_loop3A_236, %parallel_loop3A_240 : vector<16xf32>
          %parallel_loop3A_242 = vector.extract_strided_slice %parallel_loop3A_118 {offsets = [14], sizes = [1], strides = [1]} : vector<16xf32> to vector<1xf32>
          %parallel_loop3A_243 = vector.extract %parallel_loop3A_242[0] : f32 from vector<1xf32>
          %parallel_loop3A_244 = vector.broadcast %parallel_loop3A_243 : f32 to vector<16xf32>
          %parallel_loop3A_245 = arith.mulf %parallel_loop3A_143, %parallel_loop3A_244 : vector<16xf32>
          %parallel_loop3A_246 = arith.addf %parallel_loop3A_241, %parallel_loop3A_245 : vector<16xf32>
          %parallel_loop3A_247 = vector.extract_strided_slice %parallel_loop3A_118 {offsets = [15], sizes = [1], strides = [1]} : vector<16xf32> to vector<1xf32>
          %parallel_loop3A_248 = vector.extract %parallel_loop3A_247[0] : f32 from vector<1xf32>
          %parallel_loop3A_249 = vector.broadcast %parallel_loop3A_248 : f32 to vector<16xf32>
          %parallel_loop3A_250 = arith.mulf %parallel_loop3A_153, %parallel_loop3A_249 : vector<16xf32>
          %parallel_loop3A_251 = arith.addf %parallel_loop3A_246, %parallel_loop3A_250 : vector<16xf32>
          %parallel_loop3A_252 = arith.mulf %parallel_loop3A_251, %parallel_loop3A_104 : vector<16xf32>
          %parallel_loop3A_253 = arith.index_cast %parallel_loop3A_85 : i32 to index
          %parallel_loop3A_254 = arith.constant 96 : index
          %parallel_loop3A_255 = tpu.vector_load %arg11[%parallel_loop3A_253, %parallel_loop3A_254] {strides = array<i32>} : memref<80x128xf32, #tpu.memory_space<vmem>>, vector<1x16xf32>,
          %parallel_loop3A_256 = vector.shape_cast %parallel_loop3A_255 : vector<1x16xf32> to vector<16xf32>
          %parallel_loop3A_257 = vector.shape_cast %parallel_loop3A_252 : vector<16xf32> to vector<1x16xf32>
          tpu.vector_store %arg11[%parallel_loop3A_253, %parallel_loop3A_254], %parallel_loop3A_257 {strides = array<i32>} : memref<80x128xf32, #tpu.memory_space<vmem>>, vector<1x16xf32>,
          %parallel_loop3A_258 = vector.extract_strided_slice %parallel_loop3A_118 {offsets = [12], sizes = [1], strides = [1]} : vector<16xf32> to vector<1xf32>
          %parallel_loop3A_259 = vector.extract %parallel_loop3A_258[0] : f32 from vector<1xf32>
          %parallel_loop3A_260 = vector.broadcast %parallel_loop3A_259 : f32 to vector<16xf32>
          %parallel_loop3A_261 = arith.mulf %parallel_loop3A_128, %parallel_loop3A_260 : vector<16xf32>
          %parallel_loop3A_262 = vector.extract_strided_slice %parallel_loop3A_118 {offsets = [13], sizes = [1], strides = [1]} : vector<16xf32> to vector<1xf32>
          %parallel_loop3A_263 = vector.extract %parallel_loop3A_262[0] : f32 from vector<1xf32>
          %parallel_loop3A_264 = vector.broadcast %parallel_loop3A_263 : f32 to vector<16xf32>
          %parallel_loop3A_265 = arith.mulf %parallel_loop3A_138, %parallel_loop3A_264 : vector<16xf32>
          %parallel_loop3A_266 = arith.addf %parallel_loop3A_261, %parallel_loop3A_265 : vector<16xf32>
          %parallel_loop3A_267 = vector.extract_strided_slice %parallel_loop3A_118 {offsets = [14], sizes = [1], strides = [1]} : vector<16xf32> to vector<1xf32>
          %parallel_loop3A_268 = vector.extract %parallel_loop3A_267[0] : f32 from vector<1xf32>
          %parallel_loop3A_269 = vector.broadcast %parallel_loop3A_268 : f32 to vector<16xf32>
          %parallel_loop3A_270 = arith.mulf %parallel_loop3A_148, %parallel_loop3A_269 : vector<16xf32>
          %parallel_loop3A_271 = arith.addf %parallel_loop3A_266, %parallel_loop3A_270 : vector<16xf32>
          %parallel_loop3A_272 = vector.extract_strided_slice %parallel_loop3A_118 {offsets = [15], sizes = [1], strides = [1]} : vector<16xf32> to vector<1xf32>
          %parallel_loop3A_273 = vector.extract %parallel_loop3A_272[0] : f32 from vector<1xf32>
          %parallel_loop3A_274 = vector.broadcast %parallel_loop3A_273 : f32 to vector<16xf32>
          %parallel_loop3A_275 = arith.mulf %parallel_loop3A_158, %parallel_loop3A_274 : vector<16xf32>
          %parallel_loop3A_276 = arith.addf %parallel_loop3A_271, %parallel_loop3A_275 : vector<16xf32>
          %parallel_loop3A_277 = arith.mulf %parallel_loop3A_276, %parallel_loop3A_111 : vector<16xf32>
          %parallel_loop3A_278 = arith.index_cast %parallel_loop3A_85 : i32 to index
          %parallel_loop3A_279 = arith.constant 112 : index
          %parallel_loop3A_280 = tpu.vector_load %arg11[%parallel_loop3A_278, %parallel_loop3A_279] {strides = array<i32>} : memref<80x128xf32, #tpu.memory_space<vmem>>, vector<1x16xf32>,
          %parallel_loop3A_281 = vector.shape_cast %parallel_loop3A_280 : vector<1x16xf32> to vector<16xf32>
          %parallel_loop3A_282 = vector.shape_cast %parallel_loop3A_277 : vector<16xf32> to vector<1x16xf32>
          tpu.vector_store %arg11[%parallel_loop3A_278, %parallel_loop3A_279], %parallel_loop3A_282 {strides = array<i32>} : memref<80x128xf32, #tpu.memory_space<vmem>>, vector<1x16xf32>,
          %parallel_loop3A_283 = arith.constant 2 : i32
          %parallel_loop3A_284 = arith.muli %parallel_loop3A_81, %parallel_loop3A_283 : i32
          %parallel_loop3A_285 = arith.constant 1 : i32
          %parallel_loop3A_286 = arith.addi %parallel_loop3A_284, %parallel_loop3A_285 : i32
          %parallel_loop3A_287 = arith.constant 80 : i32
          %parallel_loop3A_288 = arith.muli %parallel_loop3A_286, %parallel_loop3A_287 : i32
          %parallel_loop3A_289 = arith.index_cast %parallel_loop3A_288 : i32 to index
          %parallel_loop3A_290 = tpu.vector_load %arg9[%parallel_loop3A_289] {strides = array<i32>} : memref<6400xf32, #tpu.memory_space<vmem>>, vector<16xf32>,
          %parallel_loop3A_291 = vector.shape_cast %parallel_loop3A_290 : vector<16xf32> to vector<16xf32>
          %parallel_loop3A_292 = arith.constant 80 : i32
          %parallel_loop3A_293 = arith.muli %parallel_loop3A_286, %parallel_loop3A_292 : i32
          %parallel_loop3A_294 = arith.constant 16 : i32
          %parallel_loop3A_295 = arith.addi %parallel_loop3A_293, %parallel_loop3A_294 : i32
          %parallel_loop3A_296 = arith.index_cast %parallel_loop3A_295 : i32 to index
          %parallel_loop3A_297 = tpu.vector_load %arg9[%parallel_loop3A_296] {strides = array<i32>} : memref<6400xf32, #tpu.memory_space<vmem>>, vector<16xf32>,
          %parallel_loop3A_298 = vector.shape_cast %parallel_loop3A_297 : vector<16xf32> to vector<16xf32>
          %parallel_loop3A_299 = arith.constant 80 : i32
          %parallel_loop3A_300 = arith.muli %parallel_loop3A_286, %parallel_loop3A_299 : i32
          %parallel_loop3A_301 = arith.constant 32 : i32
          %parallel_loop3A_302 = arith.addi %parallel_loop3A_300, %parallel_loop3A_301 : i32
          %parallel_loop3A_303 = arith.index_cast %parallel_loop3A_302 : i32 to index
          %parallel_loop3A_304 = tpu.vector_load %arg9[%parallel_loop3A_303] {strides = array<i32>} : memref<6400xf32, #tpu.memory_space<vmem>>, vector<16xf32>,
          %parallel_loop3A_305 = vector.shape_cast %parallel_loop3A_304 : vector<16xf32> to vector<16xf32>
          %parallel_loop3A_306 = arith.constant 80 : i32
          %parallel_loop3A_307 = arith.muli %parallel_loop3A_286, %parallel_loop3A_306 : i32
          %parallel_loop3A_308 = arith.constant 48 : i32
          %parallel_loop3A_309 = arith.addi %parallel_loop3A_307, %parallel_loop3A_308 : i32
          %parallel_loop3A_310 = arith.index_cast %parallel_loop3A_309 : i32 to index
          %parallel_loop3A_311 = tpu.vector_load %arg9[%parallel_loop3A_310] {strides = array<i32>} : memref<6400xf32, #tpu.memory_space<vmem>>, vector<16xf32>,
          %parallel_loop3A_312 = vector.shape_cast %parallel_loop3A_311 : vector<16xf32> to vector<16xf32>
          %parallel_loop3A_313 = arith.constant 80 : i32
          %parallel_loop3A_314 = arith.muli %parallel_loop3A_286, %parallel_loop3A_313 : i32
          %parallel_loop3A_315 = arith.constant 64 : i32
          %parallel_loop3A_316 = arith.addi %parallel_loop3A_314, %parallel_loop3A_315 : i32
          %parallel_loop3A_317 = arith.index_cast %parallel_loop3A_316 : i32 to index
          %parallel_loop3A_318 = tpu.vector_load %arg9[%parallel_loop3A_317] {strides = array<i32>} : memref<6400xf32, #tpu.memory_space<vmem>>, vector<16xf32>,
          %parallel_loop3A_319 = vector.shape_cast %parallel_loop3A_318 : vector<16xf32> to vector<16xf32>
          %parallel_loop3A_320 = arith.index_cast %rem3A_40 : i32 to index
          %parallel_loop3A_321 = arith.index_cast %parallel_loop3A_286 : i32 to index
          %parallel_loop3A_322 = arith.constant 0 : index
          %parallel_loop3A_323 = tpu.vector_load %arg10[%parallel_loop3A_320, %parallel_loop3A_321, %parallel_loop3A_322] {strides = array<i32>} : memref<2x80x128xf32, #tpu.memory_space<vmem>>, vector<1x1x16xf32>,
          %parallel_loop3A_324 = vector.shape_cast %parallel_loop3A_323 : vector<1x1x16xf32> to vector<16xf32>
          %parallel_loop3A_325 = arith.index_cast %rem3A_40 : i32 to index
          %parallel_loop3A_326 = arith.index_cast %parallel_loop3A_286 : i32 to index
          %parallel_loop3A_327 = arith.constant 16 : index
          %parallel_loop3A_328 = tpu.vector_load %arg10[%parallel_loop3A_325, %parallel_loop3A_326, %parallel_loop3A_327] {strides = array<i32>} : memref<2x80x128xf32, #tpu.memory_space<vmem>>, vector<1x1x16xf32>,
          %parallel_loop3A_329 = vector.shape_cast %parallel_loop3A_328 : vector<1x1x16xf32> to vector<16xf32>
          %parallel_loop3A_330 = arith.index_cast %rem3A_40 : i32 to index
          %parallel_loop3A_331 = arith.index_cast %parallel_loop3A_286 : i32 to index
          %parallel_loop3A_332 = arith.constant 32 : index
          %parallel_loop3A_333 = tpu.vector_load %arg10[%parallel_loop3A_330, %parallel_loop3A_331, %parallel_loop3A_332] {strides = array<i32>} : memref<2x80x128xf32, #tpu.memory_space<vmem>>, vector<1x1x16xf32>,
          %parallel_loop3A_334 = vector.shape_cast %parallel_loop3A_333 : vector<1x1x16xf32> to vector<16xf32>
          %parallel_loop3A_335 = arith.index_cast %rem3A_40 : i32 to index
          %parallel_loop3A_336 = arith.index_cast %parallel_loop3A_286 : i32 to index
          %parallel_loop3A_337 = arith.constant 48 : index
          %parallel_loop3A_338 = tpu.vector_load %arg10[%parallel_loop3A_335, %parallel_loop3A_336, %parallel_loop3A_337] {strides = array<i32>} : memref<2x80x128xf32, #tpu.memory_space<vmem>>, vector<1x1x16xf32>,
          %parallel_loop3A_339 = vector.shape_cast %parallel_loop3A_338 : vector<1x1x16xf32> to vector<16xf32>
          %parallel_loop3A_340 = arith.index_cast %rem3A_40 : i32 to index
          %parallel_loop3A_341 = arith.index_cast %parallel_loop3A_286 : i32 to index
          %parallel_loop3A_342 = arith.constant 64 : index
          %parallel_loop3A_343 = tpu.vector_load %arg10[%parallel_loop3A_340, %parallel_loop3A_341, %parallel_loop3A_342] {strides = array<i32>} : memref<2x80x128xf32, #tpu.memory_space<vmem>>, vector<1x1x16xf32>,
          %parallel_loop3A_344 = vector.shape_cast %parallel_loop3A_343 : vector<1x1x16xf32> to vector<16xf32>
          %parallel_loop3A_345 = arith.index_cast %rem3A_40 : i32 to index
          %parallel_loop3A_346 = arith.index_cast %parallel_loop3A_286 : i32 to index
          %parallel_loop3A_347 = arith.constant 80 : index
          %parallel_loop3A_348 = tpu.vector_load %arg10[%parallel_loop3A_345, %parallel_loop3A_346, %parallel_loop3A_347] {strides = array<i32>} : memref<2x80x128xf32, #tpu.memory_space<vmem>>, vector<1x1x16xf32>,
          %parallel_loop3A_349 = vector.shape_cast %parallel_loop3A_348 : vector<1x1x16xf32> to vector<16xf32>
          %parallel_loop3A_350 = arith.index_cast %rem3A_40 : i32 to index
          %parallel_loop3A_351 = arith.index_cast %parallel_loop3A_286 : i32 to index
          %parallel_loop3A_352 = arith.constant 96 : index
          %parallel_loop3A_353 = tpu.vector_load %arg10[%parallel_loop3A_350, %parallel_loop3A_351, %parallel_loop3A_352] {strides = array<i32>} : memref<2x80x128xf32, #tpu.memory_space<vmem>>, vector<1x1x16xf32>,
          %parallel_loop3A_354 = vector.shape_cast %parallel_loop3A_353 : vector<1x1x16xf32> to vector<16xf32>
          %parallel_loop3A_355 = arith.index_cast %rem3A_40 : i32 to index
          %parallel_loop3A_356 = arith.index_cast %parallel_loop3A_286 : i32 to index
          %parallel_loop3A_357 = arith.constant 112 : index
          %parallel_loop3A_358 = tpu.vector_load %arg10[%parallel_loop3A_355, %parallel_loop3A_356, %parallel_loop3A_357] {strides = array<i32>} : memref<2x80x128xf32, #tpu.memory_space<vmem>>, vector<1x1x16xf32>,
          %parallel_loop3A_359 = vector.shape_cast %parallel_loop3A_358 : vector<1x1x16xf32> to vector<16xf32>
          %parallel_loop3A_360 = arith.mulf %parallel_loop3A_344, %parallel_loop3A_291 : vector<16xf32>
          %parallel_loop3A_361 = arith.index_cast %parallel_loop3A_286 : i32 to index
          %parallel_loop3A_362 = arith.constant 0 : index
          %parallel_loop3A_363 = tpu.vector_load %arg11[%parallel_loop3A_361, %parallel_loop3A_362] {strides = array<i32>} : memref<80x128xf32, #tpu.memory_space<vmem>>, vector<1x16xf32>,
          %parallel_loop3A_364 = vector.shape_cast %parallel_loop3A_363 : vector<1x16xf32> to vector<16xf32>
          %parallel_loop3A_365 = vector.shape_cast %parallel_loop3A_360 : vector<16xf32> to vector<1x16xf32>
          tpu.vector_store %arg11[%parallel_loop3A_361, %parallel_loop3A_362], %parallel_loop3A_365 {strides = array<i32>} : memref<80x128xf32, #tpu.memory_space<vmem>>, vector<1x16xf32>,
          %parallel_loop3A_366 = arith.mulf %parallel_loop3A_349, %parallel_loop3A_298 : vector<16xf32>
          %parallel_loop3A_367 = arith.index_cast %parallel_loop3A_286 : i32 to index
          %parallel_loop3A_368 = arith.constant 16 : index
          %parallel_loop3A_369 = tpu.vector_load %arg11[%parallel_loop3A_367, %parallel_loop3A_368] {strides = array<i32>} : memref<80x128xf32, #tpu.memory_space<vmem>>, vector<1x16xf32>,
          %parallel_loop3A_370 = vector.shape_cast %parallel_loop3A_369 : vector<1x16xf32> to vector<16xf32>
          %parallel_loop3A_371 = vector.shape_cast %parallel_loop3A_366 : vector<16xf32> to vector<1x16xf32>
          tpu.vector_store %arg11[%parallel_loop3A_367, %parallel_loop3A_368], %parallel_loop3A_371 {strides = array<i32>} : memref<80x128xf32, #tpu.memory_space<vmem>>, vector<1x16xf32>,
          %parallel_loop3A_372 = arith.mulf %parallel_loop3A_354, %parallel_loop3A_291 : vector<16xf32>
          %parallel_loop3A_373 = arith.index_cast %parallel_loop3A_286 : i32 to index
          %parallel_loop3A_374 = arith.constant 32 : index
          %parallel_loop3A_375 = tpu.vector_load %arg11[%parallel_loop3A_373, %parallel_loop3A_374] {strides = array<i32>} : memref<80x128xf32, #tpu.memory_space<vmem>>, vector<1x16xf32>,
          %parallel_loop3A_376 = vector.shape_cast %parallel_loop3A_375 : vector<1x16xf32> to vector<16xf32>
          %parallel_loop3A_377 = vector.shape_cast %parallel_loop3A_372 : vector<16xf32> to vector<1x16xf32>
          tpu.vector_store %arg11[%parallel_loop3A_373, %parallel_loop3A_374], %parallel_loop3A_377 {strides = array<i32>} : memref<80x128xf32, #tpu.memory_space<vmem>>, vector<1x16xf32>,
          %parallel_loop3A_378 = arith.mulf %parallel_loop3A_359, %parallel_loop3A_298 : vector<16xf32>
          %parallel_loop3A_379 = arith.index_cast %parallel_loop3A_286 : i32 to index
          %parallel_loop3A_380 = arith.constant 48 : index
          %parallel_loop3A_381 = tpu.vector_load %arg11[%parallel_loop3A_379, %parallel_loop3A_380] {strides = array<i32>} : memref<80x128xf32, #tpu.memory_space<vmem>>, vector<1x16xf32>,
          %parallel_loop3A_382 = vector.shape_cast %parallel_loop3A_381 : vector<1x16xf32> to vector<16xf32>
          %parallel_loop3A_383 = vector.shape_cast %parallel_loop3A_378 : vector<16xf32> to vector<1x16xf32>
          tpu.vector_store %arg11[%parallel_loop3A_379, %parallel_loop3A_380], %parallel_loop3A_383 {strides = array<i32>} : memref<80x128xf32, #tpu.memory_space<vmem>>, vector<1x16xf32>,
          %parallel_loop3A_384 = vector.extract_strided_slice %parallel_loop3A_319 {offsets = [8], sizes = [1], strides = [1]} : vector<16xf32> to vector<1xf32>
          %parallel_loop3A_385 = vector.extract %parallel_loop3A_384[0] : f32 from vector<1xf32>
          %parallel_loop3A_386 = vector.broadcast %parallel_loop3A_385 : f32 to vector<16xf32>
          %parallel_loop3A_387 = arith.mulf %parallel_loop3A_324, %parallel_loop3A_386 : vector<16xf32>
          %parallel_loop3A_388 = vector.extract_strided_slice %parallel_loop3A_319 {offsets = [9], sizes = [1], strides = [1]} : vector<16xf32> to vector<1xf32>
          %parallel_loop3A_389 = vector.extract %parallel_loop3A_388[0] : f32 from vector<1xf32>
          %parallel_loop3A_390 = vector.broadcast %parallel_loop3A_389 : f32 to vector<16xf32>
          %parallel_loop3A_391 = arith.mulf %parallel_loop3A_334, %parallel_loop3A_390 : vector<16xf32>
          %parallel_loop3A_392 = arith.addf %parallel_loop3A_387, %parallel_loop3A_391 : vector<16xf32>
          %parallel_loop3A_393 = vector.extract_strided_slice %parallel_loop3A_319 {offsets = [10], sizes = [1], strides = [1]} : vector<16xf32> to vector<1xf32>
          %parallel_loop3A_394 = vector.extract %parallel_loop3A_393[0] : f32 from vector<1xf32>
          %parallel_loop3A_395 = vector.broadcast %parallel_loop3A_394 : f32 to vector<16xf32>
          %parallel_loop3A_396 = arith.mulf %parallel_loop3A_344, %parallel_loop3A_395 : vector<16xf32>
          %parallel_loop3A_397 = arith.addf %parallel_loop3A_392, %parallel_loop3A_396 : vector<16xf32>
          %parallel_loop3A_398 = vector.extract_strided_slice %parallel_loop3A_319 {offsets = [11], sizes = [1], strides = [1]} : vector<16xf32> to vector<1xf32>
          %parallel_loop3A_399 = vector.extract %parallel_loop3A_398[0] : f32 from vector<1xf32>
          %parallel_loop3A_400 = vector.broadcast %parallel_loop3A_399 : f32 to vector<16xf32>
          %parallel_loop3A_401 = arith.mulf %parallel_loop3A_354, %parallel_loop3A_400 : vector<16xf32>
          %parallel_loop3A_402 = arith.addf %parallel_loop3A_397, %parallel_loop3A_401 : vector<16xf32>
          %parallel_loop3A_403 = arith.mulf %parallel_loop3A_402, %parallel_loop3A_305 : vector<16xf32>
          %parallel_loop3A_404 = arith.index_cast %parallel_loop3A_286 : i32 to index
          %parallel_loop3A_405 = arith.constant 64 : index
          %parallel_loop3A_406 = tpu.vector_load %arg11[%parallel_loop3A_404, %parallel_loop3A_405] {strides = array<i32>} : memref<80x128xf32, #tpu.memory_space<vmem>>, vector<1x16xf32>,
          %parallel_loop3A_407 = vector.shape_cast %parallel_loop3A_406 : vector<1x16xf32> to vector<16xf32>
          %parallel_loop3A_408 = vector.shape_cast %parallel_loop3A_403 : vector<16xf32> to vector<1x16xf32>
          tpu.vector_store %arg11[%parallel_loop3A_404, %parallel_loop3A_405], %parallel_loop3A_408 {strides = array<i32>} : memref<80x128xf32, #tpu.memory_space<vmem>>, vector<1x16xf32>,
          %parallel_loop3A_409 = vector.extract_strided_slice %parallel_loop3A_319 {offsets = [8], sizes = [1], strides = [1]} : vector<16xf32> to vector<1xf32>
          %parallel_loop3A_410 = vector.extract %parallel_loop3A_409[0] : f32 from vector<1xf32>
          %parallel_loop3A_411 = vector.broadcast %parallel_loop3A_410 : f32 to vector<16xf32>
          %parallel_loop3A_412 = arith.mulf %parallel_loop3A_329, %parallel_loop3A_411 : vector<16xf32>
          %parallel_loop3A_413 = vector.extract_strided_slice %parallel_loop3A_319 {offsets = [9], sizes = [1], strides = [1]} : vector<16xf32> to vector<1xf32>
          %parallel_loop3A_414 = vector.extract %parallel_loop3A_413[0] : f32 from vector<1xf32>
          %parallel_loop3A_415 = vector.broadcast %parallel_loop3A_414 : f32 to vector<16xf32>
          %parallel_loop3A_416 = arith.mulf %parallel_loop3A_339, %parallel_loop3A_415 : vector<16xf32>
          %parallel_loop3A_417 = arith.addf %parallel_loop3A_412, %parallel_loop3A_416 : vector<16xf32>
          %parallel_loop3A_418 = vector.extract_strided_slice %parallel_loop3A_319 {offsets = [10], sizes = [1], strides = [1]} : vector<16xf32> to vector<1xf32>
          %parallel_loop3A_419 = vector.extract %parallel_loop3A_418[0] : f32 from vector<1xf32>
          %parallel_loop3A_420 = vector.broadcast %parallel_loop3A_419 : f32 to vector<16xf32>
          %parallel_loop3A_421 = arith.mulf %parallel_loop3A_349, %parallel_loop3A_420 : vector<16xf32>
          %parallel_loop3A_422 = arith.addf %parallel_loop3A_417, %parallel_loop3A_421 : vector<16xf32>
          %parallel_loop3A_423 = vector.extract_strided_slice %parallel_loop3A_319 {offsets = [11], sizes = [1], strides = [1]} : vector<16xf32> to vector<1xf32>
          %parallel_loop3A_424 = vector.extract %parallel_loop3A_423[0] : f32 from vector<1xf32>
          %parallel_loop3A_425 = vector.broadcast %parallel_loop3A_424 : f32 to vector<16xf32>
          %parallel_loop3A_426 = arith.mulf %parallel_loop3A_359, %parallel_loop3A_425 : vector<16xf32>
          %parallel_loop3A_427 = arith.addf %parallel_loop3A_422, %parallel_loop3A_426 : vector<16xf32>
          %parallel_loop3A_428 = arith.mulf %parallel_loop3A_427, %parallel_loop3A_312 : vector<16xf32>
          %parallel_loop3A_429 = arith.index_cast %parallel_loop3A_286 : i32 to index
          %parallel_loop3A_430 = arith.constant 80 : index
          %parallel_loop3A_431 = tpu.vector_load %arg11[%parallel_loop3A_429, %parallel_loop3A_430] {strides = array<i32>} : memref<80x128xf32, #tpu.memory_space<vmem>>, vector<1x16xf32>,
          %parallel_loop3A_432 = vector.shape_cast %parallel_loop3A_431 : vector<1x16xf32> to vector<16xf32>
          %parallel_loop3A_433 = vector.shape_cast %parallel_loop3A_428 : vector<16xf32> to vector<1x16xf32>
          tpu.vector_store %arg11[%parallel_loop3A_429, %parallel_loop3A_430], %parallel_loop3A_433 {strides = array<i32>} : memref<80x128xf32, #tpu.memory_space<vmem>>, vector<1x16xf32>,
          %parallel_loop3A_434 = vector.extract_strided_slice %parallel_loop3A_319 {offsets = [12], sizes = [1], strides = [1]} : vector<16xf32> to vector<1xf32>
          %parallel_loop3A_435 = vector.extract %parallel_loop3A_434[0] : f32 from vector<1xf32>
          %parallel_loop3A_436 = vector.broadcast %parallel_loop3A_435 : f32 to vector<16xf32>
          %parallel_loop3A_437 = arith.mulf %parallel_loop3A_324, %parallel_loop3A_436 : vector<16xf32>
          %parallel_loop3A_438 = vector.extract_strided_slice %parallel_loop3A_319 {offsets = [13], sizes = [1], strides = [1]} : vector<16xf32> to vector<1xf32>
          %parallel_loop3A_439 = vector.extract %parallel_loop3A_438[0] : f32 from vector<1xf32>
          %parallel_loop3A_440 = vector.broadcast %parallel_loop3A_439 : f32 to vector<16xf32>
          %parallel_loop3A_441 = arith.mulf %parallel_loop3A_334, %parallel_loop3A_440 : vector<16xf32>
          %parallel_loop3A_442 = arith.addf %parallel_loop3A_437, %parallel_loop3A_441 : vector<16xf32>
          %parallel_loop3A_443 = vector.extract_strided_slice %parallel_loop3A_319 {offsets = [14], sizes = [1], strides = [1]} : vector<16xf32> to vector<1xf32>
          %parallel_loop3A_444 = vector.extract %parallel_loop3A_443[0] : f32 from vector<1xf32>
          %parallel_loop3A_445 = vector.broadcast %parallel_loop3A_444 : f32 to vector<16xf32>
          %parallel_loop3A_446 = arith.mulf %parallel_loop3A_344, %parallel_loop3A_445 : vector<16xf32>
          %parallel_loop3A_447 = arith.addf %parallel_loop3A_442, %parallel_loop3A_446 : vector<16xf32>
          %parallel_loop3A_448 = vector.extract_strided_slice %parallel_loop3A_319 {offsets = [15], sizes = [1], strides = [1]} : vector<16xf32> to vector<1xf32>
          %parallel_loop3A_449 = vector.extract %parallel_loop3A_448[0] : f32 from vector<1xf32>
          %parallel_loop3A_450 = vector.broadcast %parallel_loop3A_449 : f32 to vector<16xf32>
          %parallel_loop3A_451 = arith.mulf %parallel_loop3A_354, %parallel_loop3A_450 : vector<16xf32>
          %parallel_loop3A_452 = arith.addf %parallel_loop3A_447, %parallel_loop3A_451 : vector<16xf32>
          %parallel_loop3A_453 = arith.mulf %parallel_loop3A_452, %parallel_loop3A_305 : vector<16xf32>
          %parallel_loop3A_454 = arith.index_cast %parallel_loop3A_286 : i32 to index
          %parallel_loop3A_455 = arith.constant 96 : index
          %parallel_loop3A_456 = tpu.vector_load %arg11[%parallel_loop3A_454, %parallel_loop3A_455] {strides = array<i32>} : memref<80x128xf32, #tpu.memory_space<vmem>>, vector<1x16xf32>,
          %parallel_loop3A_457 = vector.shape_cast %parallel_loop3A_456 : vector<1x16xf32> to vector<16xf32>
          %parallel_loop3A_458 = vector.shape_cast %parallel_loop3A_453 : vector<16xf32> to vector<1x16xf32>
          tpu.vector_store %arg11[%parallel_loop3A_454, %parallel_loop3A_455], %parallel_loop3A_458 {strides = array<i32>} : memref<80x128xf32, #tpu.memory_space<vmem>>, vector<1x16xf32>,
          %parallel_loop3A_459 = vector.extract_strided_slice %parallel_loop3A_319 {offsets = [12], sizes = [1], strides = [1]} : vector<16xf32> to vector<1xf32>
          %parallel_loop3A_460 = vector.extract %parallel_loop3A_459[0] : f32 from vector<1xf32>
          %parallel_loop3A_461 = vector.broadcast %parallel_loop3A_460 : f32 to vector<16xf32>
          %parallel_loop3A_462 = arith.mulf %parallel_loop3A_329, %parallel_loop3A_461 : vector<16xf32>
          %parallel_loop3A_463 = vector.extract_strided_slice %parallel_loop3A_319 {offsets = [13], sizes = [1], strides = [1]} : vector<16xf32> to vector<1xf32>
          %parallel_loop3A_464 = vector.extract %parallel_loop3A_463[0] : f32 from vector<1xf32>
          %parallel_loop3A_465 = vector.broadcast %parallel_loop3A_464 : f32 to vector<16xf32>
          %parallel_loop3A_466 = arith.mulf %parallel_loop3A_339, %parallel_loop3A_465 : vector<16xf32>
          %parallel_loop3A_467 = arith.addf %parallel_loop3A_462, %parallel_loop3A_466 : vector<16xf32>
          %parallel_loop3A_468 = vector.extract_strided_slice %parallel_loop3A_319 {offsets = [14], sizes = [1], strides = [1]} : vector<16xf32> to vector<1xf32>
          %parallel_loop3A_469 = vector.extract %parallel_loop3A_468[0] : f32 from vector<1xf32>
          %parallel_loop3A_470 = vector.broadcast %parallel_loop3A_469 : f32 to vector<16xf32>
          %parallel_loop3A_471 = arith.mulf %parallel_loop3A_349, %parallel_loop3A_470 : vector<16xf32>
          %parallel_loop3A_472 = arith.addf %parallel_loop3A_467, %parallel_loop3A_471 : vector<16xf32>
          %parallel_loop3A_473 = vector.extract_strided_slice %parallel_loop3A_319 {offsets = [15], sizes = [1], strides = [1]} : vector<16xf32> to vector<1xf32>
          %parallel_loop3A_474 = vector.extract %parallel_loop3A_473[0] : f32 from vector<1xf32>
          %parallel_loop3A_475 = vector.broadcast %parallel_loop3A_474 : f32 to vector<16xf32>
          %parallel_loop3A_476 = arith.mulf %parallel_loop3A_359, %parallel_loop3A_475 : vector<16xf32>
          %parallel_loop3A_477 = arith.addf %parallel_loop3A_472, %parallel_loop3A_476 : vector<16xf32>
          %parallel_loop3A_478 = arith.mulf %parallel_loop3A_477, %parallel_loop3A_312 : vector<16xf32>
          %parallel_loop3A_479 = arith.index_cast %parallel_loop3A_286 : i32 to index
          %parallel_loop3A_480 = arith.constant 112 : index
          %parallel_loop3A_481 = tpu.vector_load %arg11[%parallel_loop3A_479, %parallel_loop3A_480] {strides = array<i32>} : memref<80x128xf32, #tpu.memory_space<vmem>>, vector<1x16xf32>,
          %parallel_loop3A_482 = vector.shape_cast %parallel_loop3A_481 : vector<1x16xf32> to vector<16xf32>
          %parallel_loop3A_483 = vector.shape_cast %parallel_loop3A_478 : vector<16xf32> to vector<1x16xf32>
          tpu.vector_store %arg11[%parallel_loop3A_479, %parallel_loop3A_480], %parallel_loop3A_483 {strides = array<i32>} : memref<80x128xf32, #tpu.memory_space<vmem>>, vector<1x16xf32>,
        } {sc.loop_unroll_factor = 2 : i64, sc.parallel_access}
      } else {
      }
      %dma_start3A_73 = arith.constant 0 : i32
      %dma_start3A_74 = tpu.memref_slice %arg8[%rem3A_40, %dma_start3A_73] : memref<2x80xi32, #tpu.memory_space<vmem>> -> memref<1x80xi32, #tpu.memory_space<vmem>>
      %dma_start3A_75 = tpu.memref_squeeze %dma_start3A_74 : memref<1x80xi32, #tpu.memory_space<vmem>> -> memref<80xi32, #tpu.memory_space<vmem>>
      %dma_start3A_76 = arith.constant 0 : i32
      %dma_start3A_77 = arith.constant 0 : i32
      %dma_start3A_78 = tpu.memref_slice %arg13[%dma_start3A_76, %dma_start3A_77] : memref<10112x128xf32, #tpu.memory_space<vmem_shared>> -> memref<10112x128xf32, #tpu.memory_space<vmem_shared>>
      tpu.enqueue_indirect_dma source(%arg11 : memref<80x128xf32, #tpu.memory_space<vmem>>) target(%dma_start3A_78 : memref<10112x128xf32, #tpu.memory_space<vmem_shared>>) offsets(%dma_start3A_75 : memref<80xi32, #tpu.memory_space<vmem>>) semaphore(%arg15 : memref<!tpu.dma_semaphore, #tpu.memory_space<semaphore_mem>>) {add = true}
    }
    %scan3A_31 = arith.constant 250 : i32
    %dma_wait3A = arith.constant 1 : i32
    %dma_wait3A_32 = arith.constant 0 : i32
    %dma_wait3A_33 = tpu.memref_slice %arg8[%dma_wait3A, %dma_wait3A_32] : memref<2x80xi32, #tpu.memory_space<vmem>> -> memref<1x80xi32, #tpu.memory_space<vmem>>
    %dma_wait3A_34 = tpu.memref_squeeze %dma_wait3A_33 : memref<1x80xi32, #tpu.memory_space<vmem>> -> memref<80xi32, #tpu.memory_space<vmem>>
    %dma_wait3A_35 = arith.constant 0 : i32
    %dma_wait3A_36 = arith.constant 0 : i32
    %dma_wait3A_37 = tpu.memref_slice %arg13[%dma_wait3A_35, %dma_wait3A_36] : memref<10112x128xf32, #tpu.memory_space<vmem_shared>> -> memref<10112x128xf32, #tpu.memory_space<vmem_shared>>
    tpu.wait_indirect_dma semaphore(%arg15 : memref<!tpu.dma_semaphore, #tpu.memory_space<semaphore_mem>>) src(%arg11 : memref<80x128xf32, #tpu.memory_space<vmem>>) dst(%dma_wait3A_37 : memref<10112x128xf32, #tpu.memory_space<vmem_shared>>)
    %barrier3A_38 = arith.constant 0 : index
    tpu.barrier barrier_id(%barrier3A_38)
    "tpu.region"() ({
      %run_scoped3A_39 = tpu.sem_alloc : memref<!tpu.dma_semaphore, #tpu.memory_space<semaphore_mem>>
      %dma_start3A_40 = arith.constant 0 : i32
      %dma_start3A_41 = tpu.memref_slice %arg6[%arg0, %mul3A_6, %dma_start3A_40] : memref<2x10112x128xf32, #tpu.memory_space<hbm>> -> memref<1x632x128xf32, #tpu.memory_space<hbm>>
      %dma_start3A_42 = tpu.memref_squeeze %dma_start3A_41 : memref<1x632x128xf32, #tpu.memory_space<hbm>> -> memref<632x128xf32, #tpu.memory_space<hbm>>
      %dma_start3A_43 = arith.constant 0 : i32
      %dma_start3A_44 = tpu.memref_slice %arg13[%mul3A_6, %dma_start3A_43] : memref<10112x128xf32, #tpu.memory_space<vmem_shared>> -> memref<632x128xf32, #tpu.memory_space<vmem_shared>>
      tpu.enqueue_dma source(%dma_start3A_44 : memref<632x128xf32, #tpu.memory_space<vmem_shared>>) target(%dma_start3A_42 : memref<632x128xf32, #tpu.memory_space<hbm>>) target_semaphore(%run_scoped3A_39 : memref<!tpu.dma_semaphore, #tpu.memory_space<semaphore_mem>>)
      %dma_wait3A_45 = arith.constant 0 : i32
      %dma_wait3A_46 = tpu.memref_slice %arg6[%arg0, %mul3A_6, %dma_wait3A_45] : memref<2x10112x128xf32, #tpu.memory_space<hbm>> -> memref<1x632x128xf32, #tpu.memory_space<hbm>>
      %dma_wait3A_47 = tpu.memref_squeeze %dma_wait3A_46 : memref<1x632x128xf32, #tpu.memory_space<hbm>> -> memref<632x128xf32, #tpu.memory_space<hbm>>
      %dma_wait3A_48 = arith.constant 0 : i32
      %dma_wait3A_49 = tpu.memref_slice %arg13[%mul3A_6, %dma_wait3A_48] : memref<10112x128xf32, #tpu.memory_space<vmem_shared>> -> memref<632x128xf32, #tpu.memory_space<vmem_shared>>
      tpu.wait_dma2 semaphore(%run_scoped3A_39 : memref<!tpu.dma_semaphore, #tpu.memory_space<semaphore_mem>>) src(%dma_wait3A_49 : memref<632x128xf32, #tpu.memory_space<vmem_shared>>) dst(%dma_wait3A_47 : memref<632x128xf32, #tpu.memory_space<hbm>>)
      tpu.yield
    }) : () -> ()
    return
  }
}

module attributes {stable_mosaic.version = 14 : i64} {
  func.func @_edge_prep_body(%arg0: i32, %arg1: memref<8000x8xf32, #tpu.memory_space<vmem>>, %arg2: memref<8000x4xf32, #tpu.memory_space<vmem>>, %arg3: memref<8x8xf32, #tpu.memory_space<vmem>>, %arg4: memref<8x64xf32, #tpu.memory_space<vmem>>, %arg5: memref<4x16xf32, #tpu.memory_space<vmem>>, %arg6: memref<8000x80xf32, #tpu.memory_space<vmem>>) attributes {dimension_semantics = [#tpu.dimension_semantics<arbitrary>], iteration_bounds = array<i64: 40>, scalar_prefetch = 0 : i64, scratch_operands = 0 : i64, tpu.core_type = #tpu.core_type<tc>, window_params = [{transform_indices = @transform_0, window_bounds = array<i64: 8000, 8>}, {transform_indices = @transform_1, window_bounds = array<i64: 8000, 4>}, {pipeline_mode = #tpu.pipeline_mode<synchronous>, transform_indices = @transform_2, window_bounds = array<i64: 8, 8>}, {pipeline_mode = #tpu.pipeline_mode<synchronous>, transform_indices = @transform_3, window_bounds = array<i64: 8, 64>}, {pipeline_mode = #tpu.pipeline_mode<synchronous>, transform_indices = @transform_4, window_bounds = array<i64: 4, 16>}, {transform_indices = @transform_5, window_bounds = array<i64: 8000, 80>}]} {
    %get3A = arith.constant 0 : index
    %get3A_0 = arith.constant 0 : index
    %get3A_1 = vector.load %arg1[%get3A, %get3A_0] : memref<8000x8xf32, #tpu.memory_space<vmem>>, vector<8000x8xf32>
    %get3A_2 = arith.constant 0 : index
    %get3A_3 = arith.constant 0 : index
    %get3A_4 = vector.load %arg3[%get3A_2, %get3A_3] : memref<8x8xf32, #tpu.memory_space<vmem>>, vector<8x8xf32>
    %dot_general3A = arith.constant dense<0.000000e+00> : vector<8000x8xf32>
    %dot_general3A_5 = tpu.matmul %get3A_1, %get3A_4, %dot_general3A {dimension_numbers = #tpu.dot_dimension_numbers<[1], [0], [0], [1], [0, 0, 1, 1], [], []>, transpose_lhs_hint = false} : vector<8000x8xf32>, vector<8x8xf32>, vector<8000x8xf32> -> vector<8000x8xf32>
    %logistic3A = arith.negf %dot_general3A_5 : vector<8000x8xf32>
    %logistic3A_6 = math.exp %logistic3A : vector<8000x8xf32>
    %logistic3A_7 = arith.constant 1.000000e+00 : f32
    %logistic3A_8 = vector.broadcast %logistic3A_7 : f32 to vector<8000x8xf32>
    %logistic3A_9 = arith.addf %logistic3A_8, %logistic3A_6 : vector<8000x8xf32>
    %logistic3A_10 = arith.divf %logistic3A_8, %logistic3A_9 : vector<8000x8xf32>
    %mul3A = arith.mulf %dot_general3A_5, %logistic3A_10 : vector<8000x8xf32>
    %get3A_11 = arith.constant 0 : index
    %get3A_12 = arith.constant 0 : index
    %get3A_13 = vector.load %arg4[%get3A_11, %get3A_12] : memref<8x64xf32, #tpu.memory_space<vmem>>, vector<8x64xf32>
    %dot_general3A_14 = arith.constant dense<0.000000e+00> : vector<8000x64xf32>
    %dot_general3A_15 = tpu.matmul %mul3A, %get3A_13, %dot_general3A_14 {dimension_numbers = #tpu.dot_dimension_numbers<[1], [0], [0], [1], [0, 0, 1, 1], [], []>, transpose_lhs_hint = false} : vector<8000x8xf32>, vector<8x64xf32>, vector<8000x64xf32> -> vector<8000x64xf32>
    %get3A_16 = arith.constant 0 : index
    %get3A_17 = arith.constant 0 : index
    %get3A_18 = vector.load %arg2[%get3A_16, %get3A_17] : memref<8000x4xf32, #tpu.memory_space<vmem>>, vector<8000x4xf32>
    %get3A_19 = arith.constant 0 : index
    %get3A_20 = arith.constant 0 : index
    %get3A_21 = vector.load %arg5[%get3A_19, %get3A_20] : memref<4x16xf32, #tpu.memory_space<vmem>>, vector<4x16xf32>
    %dot_general3A_22 = arith.constant dense<0.000000e+00> : vector<8000x16xf32>
    %dot_general3A_23 = tpu.matmul %get3A_18, %get3A_21, %dot_general3A_22 {dimension_numbers = #tpu.dot_dimension_numbers<[1], [0], [0], [1], [0, 0, 1, 1], [], []>, transpose_lhs_hint = false} : vector<8000x4xf32>, vector<4x16xf32>, vector<8000x16xf32> -> vector<8000x16xf32>
    %concatenate3A = tpu.concatenate %dot_general3A_15, %dot_general3A_23 in 1 : vector<8000x64xf32>, vector<8000x16xf32> -> vector<8000x80xf32>
    %swap3A = arith.constant 0 : index
    %swap3A_24 = arith.constant 0 : index
    %swap3A_25 = vector.load %arg6[%swap3A, %swap3A_24] : memref<8000x80xf32, #tpu.memory_space<vmem>>, vector<8000x80xf32>
    tpu.vector_store %arg6[%swap3A, %swap3A_24], %concatenate3A {strides = array<i32>} : memref<8000x80xf32, #tpu.memory_space<vmem>>, vector<8000x80xf32>,
    return
  }
  func.func @transform_0(%arg0: i32) -> (i32, i32) {
    %c0_i32 = arith.constant 0 : i32
    %c0_i32_0 = arith.constant 0 : i32
    return %arg0, %c0_i32 : i32, i32
  }
  func.func @transform_1(%arg0: i32) -> (i32, i32) {
    %c0_i32 = arith.constant 0 : i32
    %c0_i32_0 = arith.constant 0 : i32
    return %arg0, %c0_i32 : i32, i32
  }
  func.func @transform_2(%arg0: i32) -> (i32, i32) {
    %c0_i32 = arith.constant 0 : i32
    %c0_i32_0 = arith.constant 0 : i32
    %c0_i32_1 = arith.constant 0 : i32
    return %c0_i32, %c0_i32_0 : i32, i32
  }
  func.func @transform_3(%arg0: i32) -> (i32, i32) {
    %c0_i32 = arith.constant 0 : i32
    %c0_i32_0 = arith.constant 0 : i32
    %c0_i32_1 = arith.constant 0 : i32
    return %c0_i32, %c0_i32_0 : i32, i32
  }
  func.func @transform_4(%arg0: i32) -> (i32, i32) {
    %c0_i32 = arith.constant 0 : i32
    %c0_i32_0 = arith.constant 0 : i32
    %c0_i32_1 = arith.constant 0 : i32
    return %c0_i32, %c0_i32_0 : i32, i32
  }
  func.func @transform_5(%arg0: i32) -> (i32, i32) {
    %c0_i32 = arith.constant 0 : i32
    %c0_i32_0 = arith.constant 0 : i32
    return %arg0, %c0_i32 : i32, i32
  }
}

module attributes {stable_mosaic.version = 14 : i64} {
  func.func @_up_body(%arg0: i32, %arg1: memref<1000x128xf32, #tpu.memory_space<vmem>>, %arg2: memref<128x128xf32, #tpu.memory_space<vmem>>, %arg3: memref<1000x128xf32, #tpu.memory_space<vmem>>) attributes {dimension_semantics = [#tpu.dimension_semantics<arbitrary>], iteration_bounds = array<i64: 10>, scalar_prefetch = 0 : i64, scratch_operands = 0 : i64, tpu.core_type = #tpu.core_type<tc>, window_params = [{transform_indices = @transform_0, window_bounds = array<i64: 1000, 128>}, {pipeline_mode = #tpu.pipeline_mode<synchronous>, transform_indices = @transform_1, window_bounds = array<i64: 128, 128>}, {transform_indices = @transform_2, window_bounds = array<i64: 1000, 128>}]} {
    %get3A = arith.constant 0 : index
    %get3A_0 = arith.constant 0 : index
    %get3A_1 = vector.load %arg1[%get3A, %get3A_0] : memref<1000x128xf32, #tpu.memory_space<vmem>>, vector<1000x128xf32>
    %get3A_2 = arith.constant 0 : index
    %get3A_3 = arith.constant 0 : index
    %get3A_4 = vector.load %arg2[%get3A_2, %get3A_3] : memref<128x128xf32, #tpu.memory_space<vmem>>, vector<128x128xf32>
    %dot_general3A = arith.constant dense<0.000000e+00> : vector<1000x128xf32>
    %dot_general3A_5 = tpu.matmul %get3A_1, %get3A_4, %dot_general3A {dimension_numbers = #tpu.dot_dimension_numbers<[1], [0], [0], [1], [0, 0, 1, 1], [], []>, transpose_lhs_hint = false} : vector<1000x128xf32>, vector<128x128xf32>, vector<1000x128xf32> -> vector<1000x128xf32>
    %swap3A = arith.constant 0 : index
    %swap3A_6 = arith.constant 0 : index
    %swap3A_7 = vector.load %arg3[%swap3A, %swap3A_6] : memref<1000x128xf32, #tpu.memory_space<vmem>>, vector<1000x128xf32>
    tpu.vector_store %arg3[%swap3A, %swap3A_6], %dot_general3A_5 {strides = array<i32>} : memref<1000x128xf32, #tpu.memory_space<vmem>>, vector<1000x128xf32>,
    return
  }
  func.func @transform_0(%arg0: i32) -> (i32, i32) {
    %c0_i32 = arith.constant 0 : i32
    %c0_i32_0 = arith.constant 0 : i32
    return %arg0, %c0_i32 : i32, i32
  }
  func.func @transform_1(%arg0: i32) -> (i32, i32) {
    %c0_i32 = arith.constant 0 : i32
    %c0_i32_0 = arith.constant 0 : i32
    %c0_i32_1 = arith.constant 0 : i32
    return %c0_i32, %c0_i32_0 : i32, i32
  }
  func.func @transform_2(%arg0: i32) -> (i32, i32) {
    %c0_i32 = arith.constant 0 : i32
    %c0_i32_0 = arith.constant 0 : i32
    return %arg0, %c0_i32 : i32, i32
  }
}

module attributes {stable_mosaic.version = 14 : i64} {
  func.func @_final_body(%arg0: i32, %arg1: memref<1000x256xf32, #tpu.memory_space<vmem>>, %arg2: memref<256x256xf32, #tpu.memory_space<vmem>>, %arg3: memref<4x256x256xf32, #tpu.memory_space<vmem>>, %arg4: memref<1000x4xf32, #tpu.memory_space<vmem>>, %arg5: memref<1000x192xf32, #tpu.memory_space<vmem>>) attributes {dimension_semantics = [#tpu.dimension_semantics<arbitrary>], iteration_bounds = array<i64: 10>, scalar_prefetch = 0 : i64, scratch_operands = 0 : i64, tpu.core_type = #tpu.core_type<tc>, window_params = [{transform_indices = @transform_0, window_bounds = array<i64: 1000, 256>}, {pipeline_mode = #tpu.pipeline_mode<synchronous>, transform_indices = @transform_1, window_bounds = array<i64: 256, 256>}, {pipeline_mode = #tpu.pipeline_mode<synchronous>, transform_indices = @transform_2, window_bounds = array<i64: 4, 256, 256>}, {transform_indices = @transform_3, window_bounds = array<i64: 1000, 4>}, {transform_indices = @transform_4, window_bounds = array<i64: 1000, 192>}]} {
    %get3A = arith.constant 0 : index
    %get3A_0 = arith.constant 0 : index
    %get3A_1 = vector.load %arg1[%get3A, %get3A_0] : memref<1000x256xf32, #tpu.memory_space<vmem>>, vector<1000x256xf32>
    %mul3A = arith.constant 0.176776692 : f32
    %mul3A_2 = vector.broadcast %mul3A : f32 to vector<1000x256xf32>
    %mul3A_3 = arith.mulf %get3A_1, %mul3A_2 : vector<1000x256xf32>
    %get3A_4 = arith.constant 0 : index
    %get3A_5 = arith.constant 0 : index
    %get3A_6 = vector.load %arg2[%get3A_4, %get3A_5] : memref<256x256xf32, #tpu.memory_space<vmem>>, vector<256x256xf32>
    %dot_general3A = arith.constant dense<0.000000e+00> : vector<1000x256xf32>
    %dot_general3A_7 = tpu.matmul %mul3A_3, %get3A_6, %dot_general3A {dimension_numbers = #tpu.dot_dimension_numbers<[1], [0], [0], [1], [0, 0, 1, 1], [], []>, transpose_lhs_hint = false} : vector<1000x256xf32>, vector<256x256xf32>, vector<1000x256xf32> -> vector<1000x256xf32>
    %get3A_8 = arith.constant 0 : index
    %get3A_9 = arith.constant 0 : index
    %get3A_10 = vector.load %arg4[%get3A_8, %get3A_9] : memref<1000x4xf32, #tpu.memory_space<vmem>>, vector<1000x1xf32>
    %get3A_11 = arith.constant 0 : index
    %get3A_12 = arith.constant 0 : index
    %get3A_13 = arith.constant 0 : index
    %get3A_14 = vector.load %arg3[%get3A_11, %get3A_12, %get3A_13] : memref<4x256x256xf32, #tpu.memory_space<vmem>>, vector<1x256x256xf32>
    %get3A_15 = vector.shape_cast %get3A_14 : vector<1x256x256xf32> to vector<256x256xf32>
    %dot_general3A_16 = arith.constant dense<0.000000e+00> : vector<1000x256xf32>
    %dot_general3A_17 = tpu.matmul %dot_general3A_7, %get3A_15, %dot_general3A_16 {dimension_numbers = #tpu.dot_dimension_numbers<[1], [0], [0], [1], [0, 0, 1, 1], [], []>, transpose_lhs_hint = false} : vector<1000x256xf32>, vector<256x256xf32>, vector<1000x256xf32> -> vector<1000x256xf32>
    %mul3A_18 = vector.broadcast %get3A_10 : vector<1000x1xf32> to vector<1000x256xf32>
    %mul3A_19 = arith.mulf %mul3A_18, %dot_general3A_17 : vector<1000x256xf32>
    %get3A_20 = arith.constant 0 : index
    %get3A_21 = arith.constant 1 : index
    %get3A_22 = vector.load %arg4[%get3A_20, %get3A_21] : memref<1000x4xf32, #tpu.memory_space<vmem>>, vector<1000x1xf32>
    %get3A_23 = arith.constant 1 : index
    %get3A_24 = arith.constant 0 : index
    %get3A_25 = arith.constant 0 : index
    %get3A_26 = vector.load %arg3[%get3A_23, %get3A_24, %get3A_25] : memref<4x256x256xf32, #tpu.memory_space<vmem>>, vector<1x256x256xf32>
    %get3A_27 = vector.shape_cast %get3A_26 : vector<1x256x256xf32> to vector<256x256xf32>
    %dot_general3A_28 = arith.constant dense<0.000000e+00> : vector<1000x256xf32>
    %dot_general3A_29 = tpu.matmul %dot_general3A_7, %get3A_27, %dot_general3A_28 {dimension_numbers = #tpu.dot_dimension_numbers<[1], [0], [0], [1], [0, 0, 1, 1], [], []>, transpose_lhs_hint = false} : vector<1000x256xf32>, vector<256x256xf32>, vector<1000x256xf32> -> vector<1000x256xf32>
    %mul3A_30 = vector.broadcast %get3A_22 : vector<1000x1xf32> to vector<1000x256xf32>
    %mul3A_31 = arith.mulf %mul3A_30, %dot_general3A_29 : vector<1000x256xf32>
    %add3A = arith.addf %mul3A_19, %mul3A_31 : vector<1000x256xf32>
    %get3A_32 = arith.constant 0 : index
    %get3A_33 = arith.constant 2 : index
    %get3A_34 = vector.load %arg4[%get3A_32, %get3A_33] : memref<1000x4xf32, #tpu.memory_space<vmem>>, vector<1000x1xf32>
    %get3A_35 = arith.constant 2 : index
    %get3A_36 = arith.constant 0 : index
    %get3A_37 = arith.constant 0 : index
    %get3A_38 = vector.load %arg3[%get3A_35, %get3A_36, %get3A_37] : memref<4x256x256xf32, #tpu.memory_space<vmem>>, vector<1x256x256xf32>
    %get3A_39 = vector.shape_cast %get3A_38 : vector<1x256x256xf32> to vector<256x256xf32>
    %dot_general3A_40 = arith.constant dense<0.000000e+00> : vector<1000x256xf32>
    %dot_general3A_41 = tpu.matmul %dot_general3A_7, %get3A_39, %dot_general3A_40 {dimension_numbers = #tpu.dot_dimension_numbers<[1], [0], [0], [1], [0, 0, 1, 1], [], []>, transpose_lhs_hint = false} : vector<1000x256xf32>, vector<256x256xf32>, vector<1000x256xf32> -> vector<1000x256xf32>
    %mul3A_42 = vector.broadcast %get3A_34 : vector<1000x1xf32> to vector<1000x256xf32>
    %mul3A_43 = arith.mulf %mul3A_42, %dot_general3A_41 : vector<1000x256xf32>
    %add3A_44 = arith.addf %add3A, %mul3A_43 : vector<1000x256xf32>
    %get3A_45 = arith.constant 0 : index
    %get3A_46 = arith.constant 3 : index
    %get3A_47 = vector.load %arg4[%get3A_45, %get3A_46] : memref<1000x4xf32, #tpu.memory_space<vmem>>, vector<1000x1xf32>
    %get3A_48 = arith.constant 3 : index
    %get3A_49 = arith.constant 0 : index
    %get3A_50 = arith.constant 0 : index
    %get3A_51 = vector.load %arg3[%get3A_48, %get3A_49, %get3A_50] : memref<4x256x256xf32, #tpu.memory_space<vmem>>, vector<1x256x256xf32>
    %get3A_52 = vector.shape_cast %get3A_51 : vector<1x256x256xf32> to vector<256x256xf32>
    %dot_general3A_53 = arith.constant dense<0.000000e+00> : vector<1000x256xf32>
    %dot_general3A_54 = tpu.matmul %dot_general3A_7, %get3A_52, %dot_general3A_53 {dimension_numbers = #tpu.dot_dimension_numbers<[1], [0], [0], [1], [0, 0, 1, 1], [], []>, transpose_lhs_hint = false} : vector<1000x256xf32>, vector<256x256xf32>, vector<1000x256xf32> -> vector<1000x256xf32>
    %mul3A_55 = vector.broadcast %get3A_47 : vector<1000x1xf32> to vector<1000x256xf32>
    %mul3A_56 = arith.mulf %mul3A_55, %dot_general3A_54 : vector<1000x256xf32>
    %add3A_57 = arith.addf %add3A_44, %mul3A_56 : vector<1000x256xf32>
    %add3A_58 = arith.addf %dot_general3A_7, %add3A_57 : vector<1000x256xf32>
    %slice3A = vector.extract_strided_slice %add3A_58 {offsets = [0, 0], sizes = [1000, 64], strides = [1, 1]} : vector<1000x256xf32> to vector<1000x64xf32>
    %slice3A_59 = vector.extract_strided_slice %add3A_58 {offsets = [0, 64], sizes = [1000, 64], strides = [1, 1]} : vector<1000x256xf32> to vector<1000x64xf32>
    %logistic3A = arith.negf %slice3A_59 : vector<1000x64xf32>
    %logistic3A_60 = math.exp %logistic3A : vector<1000x64xf32>
    %logistic3A_61 = arith.constant 1.000000e+00 : f32
    %logistic3A_62 = vector.broadcast %logistic3A_61 : f32 to vector<1000x64xf32>
    %logistic3A_63 = arith.addf %logistic3A_62, %logistic3A_60 : vector<1000x64xf32>
    %logistic3A_64 = arith.divf %logistic3A_62, %logistic3A_63 : vector<1000x64xf32>
    %mul3A_65 = arith.mulf %slice3A_59, %logistic3A_64 : vector<1000x64xf32>
    %logistic3A_66 = arith.negf %slice3A : vector<1000x64xf32>
    %logistic3A_67 = math.exp %logistic3A_66 : vector<1000x64xf32>
    %logistic3A_68 = arith.constant 1.000000e+00 : f32
    %logistic3A_69 = vector.broadcast %logistic3A_68 : f32 to vector<1000x64xf32>
    %logistic3A_70 = arith.addf %logistic3A_69, %logistic3A_67 : vector<1000x64xf32>
    %logistic3A_71 = arith.divf %logistic3A_69, %logistic3A_70 : vector<1000x64xf32>
    %mul3A_72 = arith.mulf %slice3A, %logistic3A_71 : vector<1000x64xf32>
    %swap3A = arith.constant 0 : index
    %swap3A_73 = arith.constant 0 : index
    %swap3A_74 = vector.load %arg5[%swap3A, %swap3A_73] : memref<1000x192xf32, #tpu.memory_space<vmem>>, vector<1000x64xf32>
    tpu.vector_store %arg5[%swap3A, %swap3A_73], %mul3A_72 {strides = array<i32>} : memref<1000x192xf32, #tpu.memory_space<vmem>>, vector<1000x64xf32>,
    %slice3A_75 = vector.extract_strided_slice %add3A_58 {offsets = [0, 128], sizes = [1000, 64], strides = [1, 1]} : vector<1000x256xf32> to vector<1000x64xf32>
    %mul3A_76 = arith.mulf %slice3A_75, %mul3A_65 : vector<1000x64xf32>
    %swap3A_77 = arith.constant 0 : index
    %swap3A_78 = arith.constant 64 : index
    %swap3A_79 = vector.load %arg5[%swap3A_77, %swap3A_78] : memref<1000x192xf32, #tpu.memory_space<vmem>>, vector<1000x64xf32>
    tpu.vector_store %arg5[%swap3A_77, %swap3A_78], %mul3A_76 {strides = array<i32>} : memref<1000x192xf32, #tpu.memory_space<vmem>>, vector<1000x64xf32>,
    %slice3A_80 = vector.extract_strided_slice %add3A_58 {offsets = [0, 192], sizes = [1000, 64], strides = [1, 1]} : vector<1000x256xf32> to vector<1000x64xf32>
    %mul3A_81 = arith.mulf %slice3A_80, %mul3A_65 : vector<1000x64xf32>
    %swap3A_82 = arith.constant 0 : index
    %swap3A_83 = arith.constant 128 : index
    %swap3A_84 = vector.load %arg5[%swap3A_82, %swap3A_83] : memref<1000x192xf32, #tpu.memory_space<vmem>>, vector<1000x64xf32>
    tpu.vector_store %arg5[%swap3A_82, %swap3A_83], %mul3A_81 {strides = array<i32>} : memref<1000x192xf32, #tpu.memory_space<vmem>>, vector<1000x64xf32>,
    return
  }
  func.func @transform_0(%arg0: i32) -> (i32, i32) {
    %c0_i32 = arith.constant 0 : i32
    %c0_i32_0 = arith.constant 0 : i32
    return %arg0, %c0_i32 : i32, i32
  }
  func.func @transform_1(%arg0: i32) -> (i32, i32) {
    %c0_i32 = arith.constant 0 : i32
    %c0_i32_0 = arith.constant 0 : i32
    %c0_i32_1 = arith.constant 0 : i32
    return %c0_i32, %c0_i32_0 : i32, i32
  }
  func.func @transform_2(%arg0: i32) -> (i32, i32, i32) {
    %c0_i32 = arith.constant 0 : i32
    %c0_i32_0 = arith.constant 0 : i32
    %c0_i32_1 = arith.constant 0 : i32
    %c0_i32_2 = arith.constant 0 : i32
    return %c0_i32, %c0_i32_0, %c0_i32_1 : i32, i32, i32
  }
  func.func @transform_3(%arg0: i32) -> (i32, i32) {
    %c0_i32 = arith.constant 0 : i32
    %c0_i32_0 = arith.constant 0 : i32
    return %arg0, %c0_i32 : i32, i32
  }
  func.func @transform_4(%arg0: i32) -> (i32, i32) {
    %c0_i32 = arith.constant 0 : i32
    %c0_i32_0 = arith.constant 0 : i32
    return %arg0, %c0_i32 : i32, i32
  }
}

</mosaic_0001>

<sc_bundles>
// kernel: kernel.6.cloned.1.call-start
scs
__scs_entry_jumppad:
0x0: {  	(pc) =	sbr.rel $0x88, $3  }
0x1: {  	(tag) =	ssettag $0x0;
	lr =	simm.s32 $0x1  }
0x2: {  	[smem:$0x3F95] =	sst lr;
	_ =	strace $0xD0000000  }
0x3: {  	_ = 	snop  }
0x4: {  	_ = 	snop  }
0x5: {  	_ = 	snop  }
0x6: {  	_ = 	snop  }
0x7: {  	_ = 	snop  }
__scs_overlays_trampoline_lowered:
0x8: {  	[smem:$0x3FA4] =	sst s0  }
0x9: {  	[smem:$0x3FA5] =	sst s1  }
0xa: {  	[smem:$0x3FA6] =	sst s2  }
0xb: {  	[smem:$0x3FA7] =	sst s3  }
0xc: {  	[smem:$0x3FA8] =	sst s4  }
0xd: {  	[smem:$0x3FA9] =	sst s5  }
0xe: {  	[smem:$0x3FAA] =	sst s6  }
0xf: {  	[smem:$0x3FAB] =	sst s7  }
0x10: {  	[smem:$0x3FAC] =	sst s8  }
0x11: {  	[smem:$0x3FAD] =	sst s9;
	s0 =	simm.s32 @!p0 $0x0  }
0x12: {  	s1 =	sld [smem:$0x3F93];
	s0 =	simm.s32 @p0 $0x1  }
0x13: {  	[smem:$0x3FAE] =	sst s0;
	s0 =	simm.s32 @!p1 $0x0  }
0x14: {  	s2 =	sld [smem:$0x3F92];
	s0 =	simm.s32 @p1 $0x1  }
0x15: {  	[smem:$0x3FAF] =	sst s0;
	s0 =	simm.s32 @!p2 $0x0  }
0x16: {  	s3 =	sld [smem:$0x3FDB];
	s0 =	simm.s32 @p2 $0x1  }
0x17: {  	s4 =	simm.s32 $0x1BF5;
	[smem:$0x3FB1] =	sst s0  }
0x18: {  	s0 =	sld [smem:$0x3F94];
	_ =	swait.ge [sflag:s4], $0x0  }
0x19: {  	s7 =	sld [smem:$0x3F95]  }
0x1a: {  	s8 =	sadd.s32 $0xFFFFE003, lr  }
0x1b: {  	s9 =	sadd.s32 $0xFFFFFEF7, lr;
	s5 =	simm.s32 $0xFFFFFFFF;
	p2 =	slt.u32 s8, $0xFFFFF086  }
0x1c: {  	p1 =	slt.u32 s9, $0xF7A;
	s5 =	simm.s32 @!p2 $0x0  }
0x1d: {  	s5 =	simm.s32 @p1 $0x1;
	p0 =	seq.s32 s7, s2  }
0x1e: {  	s7 =	smul.u32 @!p0 $0xF7A, s2;
	p2 =	seq.s32 @!p0 s5, $0x0  }
0x1f: {  	s9 =	smul.u32 $0xF7A, s1;
	s8 =	simm.s32 @!p0 $0x1BF5;
	p2 =	por !p2, p0  }
0x20: {  	[sflag:s8] =	ssyncset.s32 @!p0 $0xFFFFF086;
	s6 =	sadd.s32 @!p0 s3, s7;
	s7 =	simm.s32 @!p0 $0x108  }
0x21: {  	s3 =	sadd.s32 s3, s9;
	s6 =	sadd.s32 @!p0 $0x88, s6;
	s7 =	simm.s32 @p2 $0x1082  }
0x22: {  	[simem:s7], [sflag:s8] =	dma.local @!p0 [hbm:s6], $0xF7A  }
0x23: {  	s9 =	sor.u32 $0xD0000000, s2;
	s6 =	simm.s32 $0x108;
	_ =	swait.ge @!p0 [sflag:s8], $0x0  }
0x24: {  	s3 =	sadd.s32 $0x88, s3;
	s6 =	simm.s32 @!p1 $0x1082;
	[sflag:s4] =	ssyncset.s32 $0xFFFFF086  }
0x25: {  	[simem:s6], [sflag:s4] =	dma.local [hbm:s3], $0xF7A  }
0x26: {  	[smem:$0x3F95] =	sst s1;
	(tag) =	ssettag s2;
	_ =	strace s9  }
0x27: {  	s1 =	sld [smem:$0x3FA5]  }
0x28: {  	s2 =	sld [smem:$0x3FA6]  }
0x29: {  	s4 =	sld [smem:$0x3FA8]  }
0x2a: {  	p0 =	seq.s32 s5, $0x0;
	s5 =	sld [smem:$0x3FA9]  }
0x2b: {  	s6 =	sld [smem:$0x3FAA]  }
0x2c: {  	s7 =	sld [smem:$0x3FAB]  }
0x2d: {  	s3 =	simm.s32 $0x108;
	s8 =	sld [smem:$0x3FAC]  }
0x2e: {  	s3 =	simm.s32 @!p0 $0x1082;
	s9 =	sld [smem:$0x3FAD]  }
0x2f: {  	lr =	sadd.s32 s0, s3;
	s0 =	sld [smem:$0x3FA4]  }
0x30: {  	s3 =	sld [smem:$0x3FA7]  }
0x31: {  	[smem:$0x3FB0] =	sst s10  }
0x32: {  	s10 =	sld [smem:$0x3FAE];
	_ =	sdelay $0x3  }
0x33: {  	p0 =	seq.s32 s10, $0x1;
	s10 =	sld [smem:$0x3FB0];
	_ =	sdelay $0x3  }
0x34: {  	[smem:$0x3FB0] =	sst s10  }
0x35: {  	s10 =	sld [smem:$0x3FAF];
	_ =	sdelay $0x3  }
0x36: {  	p1 =	seq.s32 s10, $0x1;
	s10 =	sld [smem:$0x3FB0];
	_ =	sdelay $0x3  }
0x37: {  	[smem:$0x3FB0] =	sst s10  }
0x38: {  	s10 =	sld [smem:$0x3FB1]  }
0x39: {  	_ = 	snop;
	(pc) =	sbr.ind lr, $3  }
0x3a: {  	_ = 	snop  }
0x3b: {  	_ = 	snop  }
0x3c: {  	p2 =	seq.s32 s10, $0x1;
	s10 =	sld [smem:$0x3FB0]  }
0x3d: {  	_ =	shalt  }
0x3e: {  	_ =	shalt  }
0x3f: {  	_ =	shalt  }
0x40: {  	_ =	shalt  }
0x41: {  	_ =	shalt  }
0x42: {  	_ =	shalt  }
0x43: {  	_ =	shalt  }
0x44: {  	_ =	shalt  }
0x45: {  	_ =	shalt  }
0x46: {  	_ =	shalt  }
0x47: {  	_ =	shalt  }
0x48: {  	_ =	shalt  }
0x49: {  	_ =	shalt  }
0x4a: {  	_ =	shalt  }
0x4b: {  	_ =	shalt  }
0x4c: {  	_ =	shalt  }
0x4d: {  	_ =	shalt  }
0x4e: {  	_ =	shalt  }
0x4f: {  	_ =	shalt  }
0x50: {  	_ =	shalt  }
0x51: {  	_ =	shalt  }
0x52: {  	_ =	shalt  }
0x53: {  	_ =	shalt  }
0x54: {  	_ =	shalt  }
0x55: {  	_ =	shalt  }
0x56: {  	_ =	shalt  }
0x57: {  	_ =	shalt  }
0x58: {  	_ =	shalt  }
0x59: {  	_ =	shalt  }
0x5a: {  	_ =	shalt  }
0x5b: {  	_ =	shalt  }
0x5c: {  	_ =	shalt  }
0x5d: {  	_ =	shalt  }
0x5e: {  	_ =	shalt  }
0x5f: {  	_ =	shalt  }
0x60: {  	_ =	shalt  }
0x61: {  	_ =	shalt  }
0x62: {  	_ =	shalt  }
0x63: {  	_ =	shalt  }
0x64: {  	_ =	shalt  }
0x65: {  	_ =	shalt  }
0x66: {  	_ =	shalt  }
0x67: {  	_ =	shalt  }
0x68: {  	_ =	shalt  }
0x69: {  	_ =	shalt  }
0x6a: {  	_ =	shalt  }
0x6b: {  	_ =	shalt  }
0x6c: {  	_ =	shalt  }
0x6d: {  	_ =	shalt  }
0x6e: {  	_ =	shalt  }
0x6f: {  	_ =	shalt  }
0x70: {  	_ =	shalt  }
0x71: {  	_ =	shalt  }
0x72: {  	_ =	shalt  }
0x73: {  	_ =	shalt  }
0x74: {  	_ =	shalt  }
0x75: {  	_ =	shalt  }
0x76: {  	_ =	shalt  }
0x77: {  	_ =	shalt  }
0x78: {  	_ =	shalt  }
0x79: {  	_ =	shalt  }
0x7a: {  	_ =	shalt  }
0x7b: {  	_ =	shalt  }
0x7c: {  	_ =	shalt  }
0x7d: {  	_ =	shalt  }
0x7e: {  	_ =	shalt  }
0x7f: {  	_ =	shalt  }
0x80: {  	_ =	shalt  }
0x81: {  	_ =	shalt  }
0x82: {  	_ =	shalt  }
0x83: {  	_ =	shalt  }
0x84: {  	_ =	shalt  }
0x85: {  	_ =	shalt  }
0x86: {  	_ =	shalt  }
0x87: {  	_ =	shalt  }
.Lfunc_end0:
.L_simem_size_0:
called_computation_lowered:
.L_overlay_start_0:
0x88: {  	s2 =	sld [smem:$0x3FD9]  }
0x89: {  	s3 =	sld [smem:$0x3FFE];
	_ =	sdelay $0x1  }
0x8a: {  	s1 =	srdreg.scid  }
0x8b: {  	s0 =	sand.u32 $0x1, s1  }
0x8c: {  	s17 =	sshll.u32 s0, $0xA;
	s2 =	sadd.s32 s3, s2  }
0x8d: {  	s2 =	sadd.s32 s2, s17  }
0x8e: {  	[smem:$0x3FBC] =	sst s2  }
0x8f: {  	_ = 	snop  }
0x90: {  	s2 =	sld [smem:$0x3FC6]  }
0x91: {  	s18 =	sld [smem:$0x3FC5]  }
0x92: {  	s4 =	sld [smem:$0x3FD0];
	(tm) =	ssettm $0x1  }
0x93: {  	s5 =	sld [smem:$0x3FFB];
	_ =	sdelay $0x3  }
0x94: {  	_ =	strace s5  }
0x95: {  	s5 =	sld [smem:$0x3FFC];
	_ =	sdelay $0x3  }
0x96: {  	_ =	strace s5  }
0x97: {  	s5 =	sld [smem:$0x3FFD];
	_ =	sdelay $0x3  }
0x98: {  	_ =	strace s5  }
0x99: {  	_ =	strace $0x8FFFFFFF  }
0x9a: {  	s19 =	sld [smem:$0x3FDB];
	_ =	sdelay $0x1  }
0x9b: {  	s6 =	simm.s32 $_scs_section_size  }
0x9c: {  	s7 =	simm.s32 $_size__tile_overlayer_lowered;
	s8 =	simm.s32 $_tile_overlayer_lowered  }
0x9d: {  	s22 =	simm.s32 $0x1BFF;
	s21 =	sshll.u32 s8, $0x1;
	s5 =	sadd.s32 s6, s19  }
0x9e: {  	s9 =	simm.s32 $0x0;
	s20 =	sshll.u32 s7, $0x1;
	s7 =	sadd.s32 s21, s5  }
0x9f: {  	[timem:s9], [sflag:s22] =	dma.local [hbm:s7], s20  }
0xa0: {  	_ =	swait.ge [sflag:s22], s20  }
0xa1: {  	s6 =	ssub.s32 $0x0, s20;
	[sflag:s22] =	ssyncset.done $0x0  }
0xa2: {  	[sflag:s22] =	ssyncadd.s32 s6;
	_ =	sdelay $0x1  }
0xa3: {  	s23 =	simm.s32 $0x1B8B  }
0xa4: {  	_ =	swait.ge [sflag:s23], $0x1  }
0xa5: {  	[sflag:s23] =	ssyncset.done $0x0  }
0xa6: {  	s25 =	simm.s32 $0x1B8E;
	s24 =	sld [smem:$0x3FFE];
	[sflag:s23] =	ssyncadd.s32 $0xFFFFFFFF  }
0xa7: {  	s26 =	simm.s32 $execute0_lowered;
	[smem:$0x3FD2] =	sst s25  }
0xa8: {  	s7 =	sshll.u32 s26, $0x1;
	_ =	strace $0x80000046;
	[dreg:$0x1] =	wrdreg $0xFFFFFFFF  }
0xa9: {  	s28 =	simm.s32 $_size_execute0_lowered;
	s5 =	sadd.s32 s5, s7;
	[dreg:$0x0] =	wrdreg $0x0  }
0xaa: {  	s7 =	sshll.u32 s28, $0x1;
	[dreg:$0x2] =	wrdreg s5  }
0xab: {  	[dreg:$0x3] =	wrdreg s7  }
0xac: {  	[dreg:$0x4] =	wrdreg $0xC0  }
0xad: {  	_ =	task [dreg:s9], $0x5FFFF  }
0xae: {  	[dreg:$0x1] =	wrdreg $0xFFFFFFFF  }
0xaf: {  	[dreg:$0x0] =	wrdreg $0x60  }
0xb0: {  	[dreg:$0x2] =	wrdreg s4  }
0xb1: {  	[dreg:$0x3] =	wrdreg s2  }
0xb2: {  	[dreg:$0x4] =	wrdreg s18  }
0xb3: {  	[dreg:$0x5] =	wrdreg s24  }
0xb4: {  	[dreg:$0x6] =	wrdreg $0xBB000  }
0xb5: {  	[dreg:$0x7] =	wrdreg $0x9  }
0xb6: {  	_ =	task.clear_ibuf [dreg:s9], $0x8FFFF;
	_ =	strace $0x90000046  }
0xb7: {  	s29 =	simm.s32 $0x9;
	_ =	strace $0x80000048  }
0xb8: {  	_ =	swait.ge [sflag:s29], $0x1  }
0xb9: {  	[sflag:s29] =	ssyncadd.s32 $0xFFFFFFFF  }
0xba: {  	_ =	strace $0x90000048  }
0xbb: {  	_ =	sfence  }
0xbc: {  	s30 =	sld [smem:$0x0];
	_ =	sdelay $0x2  }
0xbd: {  	s31 =	sshll.u32 s1, $0xD;
	s1 =	sshrl.u32 s1, $0x2  }
0xbe: {  	s3 =	sand.u32 $0x4000, s31;
	s1 =	sadd.s32 s1, s30  }
0xbf: {  	s0 =	sor.u32 s3, s0;
	s1 =	sshll.u32 s1, $0x11  }
0xc0: {  	s0 =	sor.u32 s1, s0  }
0xc1: {  	s0 =	sadd.s32 $0x8F2B, s0  }
0xc2: {  	[sflag:s0] =	ssyncadd.remote.s32 $0x1  }
0xc3: {  	_ =	sfence.sel $0xFFFF  }
0xc4: {  	[dreg:$0x0] =	wrdreg $0xFFFFFFFF;
	(pc) =	sbr.abs _section_cstart, $3  }
0xc5: {  	[dreg:$0x1] =	wrdreg $0xFFFFFFFF  }
0xc6: {  	_ =	task.clear_ibuf [dreg:s9], $0x2FFFF;
	_ =	strace $0x9FFFFFFF  }
0xc7: {  	(tm) =	ssettm $0x7FFFFFFF  }
tec
execute0_lowered:
.L_overlay_start_1:
0x0: {  	(tag) =	ssettag $0x1  }
0x1: {  	s0 =	rddreg [dreg:$0x0]  }
0x2: {  	s1 =	rddreg [dreg:$0x1]  }
0x3: {  	s2 =	rddreg [dreg:$0x2]  }
0x4: {  	s3 =	rddreg [dreg:$0x3];
	s4 =	srdreg.scid  }
0x5: {  	s5 =	rddreg [dreg:$0x4];
	s11 =	stileid.u32;
	s6 =	simm.s32 $0x0  }
0x6: {  	s20 =	simm.s32 $0x9300;
	s21 =	simm.s32 $0x3;
	s22 =	simm.s32 $0x50  }
0x7: {  	s24 =	simm.s32 $0x1;
	s25 =	simm.s32 $0x200;
	s26 =	simm.s32 $0x6B00  }
0x8: {  	s28 =	simm.s32 $0x2;
	s4 =	sand.u32 $0x1, s4;
	s8 =	smul.u32 $0x13C00, s11  }
0x9: {  	s29 =	simm.s32 $0x0;
	[smem:$0x7FF] =	sst s6;
	s7 =	smul.u32 $0x13C000, s4  }
0xa: {  	_ =	strace $0x80000047;
	s10 =	ssub.s32 $0x2, s4;
	p0 =	seq.s32 s4, $0x1  }
0xb: {  	s30 =	sshrl.u32 s10, $0x1;
	s8 =	sadd.s32 s8, s7;
	s7 =	smul.u32 $0x4E20, s11  }
0xc: {  	s11 =	smul.u32 $0x4F000, s11;
	s9 =	sshrl.u32 s8, $0x3;
	s8 =	sadd.s32 $0x2200, s3  }
0xd: {  	s3 =	sadd.s32 s9, s3;
	s9 =	ssub.s32 s10, s30;
	s31 =	sshrl.u32 s7, $0x3  }
.Ltmp0:
0xe: {  	s11 =	sshrl.u32 s11, $0x2;
	s10 =	sadd.s32 s1, s31;
	(pc) =	sbr.rel .LBB2_1-.Ltmp0, $4  }
0xf: {  	s3 =	sadd.s32 $0x30F600, s3;
	[dreg:$0x6] =	wrdreg s10;
	s10 =	sadd.s32 s11, s5  }
0x10: {  	s12 =	smax.u32 s9, $0x1;
	[dreg:$0x7] =	wrdreg s3;
	s13 =	sadd.s32 $0x2780, s10  }
0x11: {  	s14 =	sadd.s32 $0x4F00, s10;
	s15 =	sadd.s32 $0x7680, s10;
	s16 =	sadd.s32 $0x9E00, s10  }
0x12: {  	v0 =	vimm.f32 $0.0e+00;
	s17 =	sadd.s32 $0xC580, s10;
	s18 =	sadd.s32 $0xED00, s10;
	s19 =	sadd.s32 $0x11480, s10  }
.LBB2_12:
0x13: {  	_ =	swait.ge [sflag:s28], $0x2800  }
0x14: {  	s3 =	stileid.u32;
	[sflag:s28] =	ssyncset.done $0x0  }
0x15: {  	s4 =	sshrl.u32 s10, $0x3;
	s29 =	sadd.s32 $0x1, s29;
	[sflag:s28] =	ssyncadd.s32 $0xFFFFD800  }
0x16: {  	s3 =	sshll.u32 s3, $0x6;
	p1 =	sne.s32 s29, s12;
	[bflag:$0x0] =	sbarrier.arrive $0xFFFF  }
.Ltmp1:
0x17: {  	s3 =	sor.u32 $0x1C03, s3;
	s9 =	rddreg [dreg:$0x7];
	(pc) =	sbr.rel @!p1 .LBB2_13-.Ltmp1, $4  }
0x18: {  	[hbm:s9], [sflag:s3] =	dma.local [spmem:s4], $0x2780  }
0x19: {  	_ =	swait.ge [sflag:s21], $0x2780  }
0x1a: {  	[sflag:s21] =	ssyncset.done $0x0  }
0x1b: {  	[sflag:s21] =	ssyncadd.s32 $0xFFFFD880  }
.LBB2_1:
0x1c: {  	s3 =	simm.s32 $0x0;
	s4 =	simm.s32 $0x200  }
.LBB2_2:
0x1d: {  	p1 =	sne.s32 s4, $0x9C00;
	[tilespmem:s3+$0x9370] =	vst v0  }
0x1e: {  	[tilespmem:s3+$0x9300] =	vst v0  }
0x1f: {  	[tilespmem:s3+$0x9310] =	vst v0  }
.Ltmp2:
0x20: {  	[tilespmem:s3+$0x9320] =	vst v0;
	(pc) =	sbr.rel @p1 .LBB2_2-.Ltmp2, $4  }
0x21: {  	[tilespmem:s3+$0x9330] =	vst v0  }
0x22: {  	[tilespmem:s3+$0x9340] =	vst v0  }
0x23: {  	[tilespmem:s3+$0x9350] =	vst v0  }
0x24: {  	[tilespmem:s3+$0x9360] =	vst v0;
	s3 =	sshra.s32 s4, $0x2;
	s4 =	sadd.s32 $0x200, s4  }
0x25: {  	[tilespmem:s3+$0x9370] =	vst v0  }
0x26: {  	[tilespmem:s3+$0x9300] =	vst v0  }
0x27: {  	[tilespmem:s3+$0x9310] =	vst v0  }
0x28: {  	[tilespmem:s3+$0x9320] =	vst v0  }
0x29: {  	[tilespmem:s3+$0x9330] =	vst v0  }
0x2a: {  	[tilespmem:s3+$0x9340] =	vst v0  }
0x2b: {  	[tilespmem:s3+$0x9350] =	vst v0  }
0x2c: {  	[tilespmem:s3+$0x9360] =	vst v0  }
0x2d: {  	[spmem:s10] =	stream.linear.scatter [tilespmem:s20], [sflag:$0x3], $0x2780, $0x38;
	[tilespmem:$0x1F700] =	vst v63  }
0x2e: {  	_ =	swait.ge [sflag:s21], $0x2780  }
0x2f: {  	[sflag:s21] =	ssyncset.done $0x0  }
0x30: {  	[sflag:s21] =	ssyncadd.s32 $0xFFFFD880  }
0x31: {  	[spmem:s13] =	stream.linear.scatter [tilespmem:s20], [sflag:$0x3], $0x2780, $0x38;
	[tilespmem:$0x1F700] =	vst v63  }
0x32: {  	_ =	swait.ge [sflag:s21], $0x2780  }
0x33: {  	[sflag:s21] =	ssyncset.done $0x0  }
0x34: {  	[sflag:s21] =	ssyncadd.s32 $0xFFFFD880  }
0x35: {  	[spmem:s14] =	stream.linear.scatter [tilespmem:s20], [sflag:$0x3], $0x2780, $0x38;
	[tilespmem:$0x1F700] =	vst v63  }
0x36: {  	_ =	swait.ge [sflag:s21], $0x2780  }
0x37: {  	[sflag:s21] =	ssyncset.done $0x0  }
0x38: {  	[sflag:s21] =	ssyncadd.s32 $0xFFFFD880  }
0x39: {  	[spmem:s15] =	stream.linear.scatter [tilespmem:s20], [sflag:$0x3], $0x2780, $0x38;
	[tilespmem:$0x1F700] =	vst v63  }
0x3a: {  	_ =	swait.ge [sflag:s21], $0x2780  }
0x3b: {  	[sflag:s21] =	ssyncset.done $0x0  }
0x3c: {  	[sflag:s21] =	ssyncadd.s32 $0xFFFFD880  }
0x3d: {  	[spmem:s16] =	stream.linear.scatter [tilespmem:s20], [sflag:$0x3], $0x2780, $0x38;
	[tilespmem:$0x1F700] =	vst v63  }
0x3e: {  	_ =	swait.ge [sflag:s21], $0x2780  }
0x3f: {  	[sflag:s21] =	ssyncset.done $0x0  }
0x40: {  	[sflag:s21] =	ssyncadd.s32 $0xFFFFD880  }
0x41: {  	[spmem:s17] =	stream.linear.scatter [tilespmem:s20], [sflag:$0x3], $0x2780, $0x38;
	[tilespmem:$0x1F700] =	vst v63  }
0x42: {  	_ =	swait.ge [sflag:s21], $0x2780  }
0x43: {  	[sflag:s21] =	ssyncset.done $0x0  }
0x44: {  	[sflag:s21] =	ssyncadd.s32 $0xFFFFD880  }
0x45: {  	[spmem:s18] =	stream.linear.scatter [tilespmem:s20], [sflag:$0x3], $0x2780, $0x38;
	[tilespmem:$0x1F700] =	vst v63  }
0x46: {  	_ =	swait.ge [sflag:s21], $0x2780  }
0x47: {  	[sflag:s21] =	ssyncset.done $0x0  }
0x48: {  	[sflag:s21] =	ssyncadd.s32 $0xFFFFD880  }
0x49: {  	[spmem:s19] =	stream.linear.scatter [tilespmem:s20], [sflag:$0x3], $0x2780, $0x38;
	[tilespmem:$0x1F700] =	vst v63  }
0x4a: {  	_ =	swait.ge [sflag:s21], $0x2780  }
0x4b: {  	[sflag:s21] =	ssyncset.done $0x0  }
0x4c: {  	[sflag:s21] =	ssyncadd.s32 $0xFFFFD880  }
0x4d: {  	[bflag:$0x0] =	sbarrier.arrive $0xFFFF  }
0x4e: {  	s30 =	simm.s32 $0x0;
	s23 =	rddreg [dreg:$0x6]  }
0x4f: {  	[tilespmem:s30], [sflag:$0x3] =	stream.linear.gather [hbm4b:s23+s30], $0x50, $0x38;
	[tilespmem:$0x1F700] =	vst v63  }
.Ltmp3:
0x50: {  	_ = 	snop;
	(pc) =	sbr.rel .LBB2_4-.Ltmp3, $4  }
0x51: {  	_ =	swait.ge [sflag:s21], $0x50  }
0x52: {  	[sflag:s21] =	ssyncset.done $0x0  }
0x53: {  	s31 =	simm.s32 $0x1B00;
	p1 =	por $0x0, $0x0;
	[sflag:s21] =	ssyncadd.s32 $0xFFFFFFB0  }
0x54: {  	[tilespmem:s31], [sflag:$0x1] =	stream.indirect.gather [hbm4b:s0+s22], $0x80, s30, s22, $0xb8;
	[tilespmem:$0x1F700] =	vst v63  }
.LBB2_7:
0x55: {  	v13 =	vmul.f32 v13, v4  }
0x56: {  	v3 =	vmul.f32 v9, v3  }
0x57: {  	v26 =	vmul.f32 v14, v18;
	v61 =	vmul.f32 v10, v4;
	[tilespmem:s3+$0xC0] =	vst v13  }
0x58: {  	v19 =	vadd.f32 v24, v19;
	v54 =	vmul.f32 v14, v23;
	v62 =	vmul.f32 v6, v12;
	[tilespmem:s3+$0xD0] =	vst v3  }
0x59: {  	v53 =	vmul.f32 v15, v18;
	v63 =	vmul.f32 v7, v11;
	v22 =	vadd.f32 v26, v22;
	[tilespmem:s3+$0xE0] =	vst v61  }
0x5a: {  	v21 =	vadd.f32 v25, v21;
	v1 =	vmul.f32 v1, v2;
	v56 =	vadd.f32 v54, v19;
	[tilespmem:s3+$0xFFFFFF90] =	vst v62  }
0x5b: {  	v55 =	vmul.f32 v15, v23;
	v18 =	vadd.f32 v53, v20;
	[tilespmem:s3+$0xFFFFFFA0] =	vst v63;
	v57 =	vmul.f32 v22, v16  }
0x5c: {  	[tilespmem:s3+$0xB0] =	vst v1;
	v3 =	vmul.f32 v56, v16  }
0x5d: {  	v58 =	vadd.f32 v55, v21;
	v59 =	vmul.f32 v18, v17;
	[tilespmem:s3+$0xFFFFFFC0] =	vst v57  }
0x5e: {  	[tilespmem:s3+$0xFFFFFFE0] =	vst v3;
	v3 =	vmul.f32 v5, v11  }
0x5f: {  	v60 =	vmul.f32 v58, v17;
	[tilespmem:s3+$0xFFFFFFD0] =	vst v59  }
0x60: {  	[tilespmem:s3+$0xFFFFFF80] =	vst v3;
	v3 =	vmul.f32 v8, v12  }
0x61: {  	[tilespmem:s3+$0xFFFFFFF0] =	vst v60  }
0x62: {  	[tilespmem:s3+$0xFFFFFFB0] =	vst v3  }
.LBB2_11:
0x63: {  	s30 =	sadd.s32 $0x1, s30  }
0x64: {  	p2 =	sne.s32 s30, $0xFA  }
.Ltmp4:
0x65: {  	_ = 	snop;
	(pc) =	sbr.rel @!p2 .LBB2_12-.Ltmp4, $3  }
0x66: {  	_ =	sdelay $0x1  }
0x67: {  	[spmem:s5] =	stream.indirect.scatter.add.f32 [tilespmem:s26], [sflag:$0x2], $0x80, s31, s22, $0xb8;
	[tilespmem:$0x1F700] =	vst v63  }
0x68: {  	p1 =	por !p1, !p1  }
.LBB2_4:
0x69: {  	s3 =	smul.u32 $0x50, s30;
	_ =	sdelay $0x1  }
0x6a: {  	p2 =	seq.s32 s30, $0xF9;
	s3 =	sadd.s32 s7, s3  }
0x6b: {  	s4 =	sand.u32 $0x1, s30;
	s9 =	sshrl.u32 @!p2 s3, $0x3  }
0x6c: {  	s23 =	sxor.u32 @!p2 $0x1, s4;
	s9 =	sadd.s32 @!p2 s1, s9  }
0x6d: {  	s11 =	simm.s32 @!p2 $0x0;
	s31 =	sshll.u32 @!p2 s23, $0x7;
	s9 =	sadd.s32 @!p2 $0xA, s9  }
0x6e: {  	[tilespmem:s31], [sflag:$0x3] =	stream.linear.gather @!p2 [hbm4b:s9+s11], $0x50, $0x38;
	[tilespmem:$0x1F700] =	vst v63  }
0x6f: {  	s9 =	simm.s32 @!p2 $0x3  }
0x70: {  	s11 =	smul.u32 @!p2 $0xA000, s23;
	_ =	swait.ge @!p2 [sflag:s9], $0x50  }
0x71: {  	[sflag:s9] =	ssyncset.done @!p2 $0x0  }
0x72: {  	[sflag:s9] =	ssyncadd.s32 @!p2 $0xFFFFFFB0;
	s9 =	sshrl.u32 @!p2 s11, $0x2  }
0x73: {  	s23 =	smul.u32 $0xA, s3;
	s11 =	simm.s32 @!p2 $0x50;
	s9 =	sadd.s32 @!p2 $0x1B00, s9  }
0x74: {  	[tilespmem:s9], [sflag:$0x1] =	stream.indirect.gather @!p2 [hbm4b:s0+s11], $0x80, s31, s11, $0xb8;
	[tilespmem:$0x1F700] =	vst v63  }
0x75: {  	s23 =	sadd.s32 s8, s23  }
0x76: {  	[tilespmem:s25], [sflag:$0x3] =	stream.linear.gather [hbm4b:s23+s6], $0x1900, $0x38;
	[tilespmem:$0x1F700] =	vst v63  }
0x77: {  	_ =	swait.ge [sflag:s21], $0x1900  }
0x78: {  	s4 =	sshll.u32 s4, $0x7;
	s3 =	sshrl.u32 s3, $0x3;
	[sflag:s21] =	ssyncset.done $0x0  }
0x79: {  	s3 =	sadd.s32 s2, s3;
	s31 =	sor.u32 $0x100, s4;
	[sflag:s21] =	ssyncadd.s32 $0xFFFFE700  }
0x7a: {  	[tilespmem:s31], [sflag:$0x3] =	stream.linear.gather [hbm4b:s3+s6], $0x50, $0x38;
	[tilespmem:$0x1F700] =	vst v63  }
0x7b: {  	_ =	swait.ge [sflag:s21], $0x50  }
0x7c: {  	s3 =	simm.s32 $0x1;
	[sflag:s21] =	ssyncset.done $0x0  }
0x7d: {  	s3 =	simm.s32 @!p1 $0x0;
	[sflag:s21] =	ssyncadd.s32 $0xFFFFFFB0  }
0x7e: {  	s3 =	smul.u32 $0xA000, s3;
	_ =	swait.ge [sflag:s24], $0x2800  }
.Ltmp5:
0x7f: {  	p2 =	seq.s32 s30, $0x0;
	[sflag:s24] =	ssyncset.done $0x0;
	(pc) =	sbr.rel @!p0 .LBB2_5-.Ltmp5, $4  }
0x80: {  	s4 =	simm.s32 @!p2 $0x2;
	[sflag:s24] =	ssyncadd.s32 $0xFFFFD800  }
0x81: {  	s3 =	sshrl.u32 s3, $0x2;
	_ =	swait.ge @!p2 [sflag:s4], $0x2800  }
0x82: {  	s9 =	simm.s32 $0xFFFFFFFE;
	s23 =	sadd.s32 $0x1C00, s3;
	[sflag:s4] =	ssyncset.done @!p2 $0x0  }
0x83: {  	s3 =	simm.s32 $0x6C00;
	[sflag:s4] =	ssyncadd.s32 @!p2 $0xFFFFD800;
	s4 =	simm.s32 $0x2A0  }
0x84: {  	v1 =	vld [tilespmem:s4+$0x0]  }
0x85: {  	v2 =	vld [tilespmem:s4+$0x10]  }
0x86: {  	v3 =	vld [tilespmem:s23+$0x60]  }
0x87: {  	v4 =	vld [tilespmem:s23+$0x40]  }
0x88: {  	v5 =	vld [tilespmem:s23+$0x50]  }
0x89: {  	v7 =	vld [tilespmem:s4+$0x40];
	_ =	sdelay $0x3  }
0x8a: {  	v10 =	vld [tilespmem:s23+$0x0];
	v8 =	vmul.f32 v4, v1;
	v9 =	vmul.f32 v5, v2  }
0x8b: {  	v11 =	vld [tilespmem:s23+$0x10];
	v1 =	vmul.f32 v3, v1;
	v12 =	vbroadcast v7, $0xB  }
0x8c: {  	v14 =	vld [tilespmem:s23+$0x20];
	v13 =	vbroadcast v7, $0xF;
	v15 =	vbroadcast v7, $0xA  }
0x8d: {  	v17 =	vld [tilespmem:s23+$0x30];
	v16 =	vbroadcast v7, $0xE;
	v18 =	vbroadcast v7, $0x8  }
0x8e: {  	v19 =	vbroadcast v7, $0x9;
	v20 =	vbroadcast v7, $0xC  }
0x8f: {  	v7 =	vbroadcast v7, $0xD;
	v21 =	vmul.f32 v3, v12  }
0x90: {  	v22 =	vmul.f32 v4, v15;
	v15 =	vmul.f32 v5, v15  }
0x91: {  	v23 =	vmul.f32 v18, v10;
	v24 =	vmul.f32 v14, v19  }
0x92: {  	v6 =	vld [tilespmem:s23+$0x70];
	v18 =	vmul.f32 v11, v18;
	v19 =	vmul.f32 v17, v19  }
0x93: {  	v25 =	vld [tilespmem:s4+$0xFFFFFFA0];
	v10 =	vmul.f32 v20, v10;
	v14 =	vmul.f32 v14, v7  }
0x94: {  	v51 =	vld [tilespmem:s4+$0x20];
	v11 =	vmul.f32 v11, v20;
	v7 =	vmul.f32 v17, v7;
	v23 =	vadd.f32 v24, v23  }
0x95: {  	v17 =	vld [tilespmem:s4+$0x30];
	v4 =	vmul.f32 v4, v16;
	v18 =	vadd.f32 v19, v18;
	v10 =	vadd.f32 v14, v10  }
0x96: {  	v5 =	vmul.f32 v5, v16;
	v14 =	vld [tilespmem:s23+$0xFFFFFF00];
	v7 =	vadd.f32 v7, v11;
	v19 =	vadd.f32 v22, v23  }
0x97: {  	v12 =	vmul.f32 v6, v12;
	v15 =	vadd.f32 v15, v18;
	v4 =	vadd.f32 v4, v10;
	v10 =	vld [tilespmem:s23+$0xFFFFFF20]  }
0x98: {  	v2 =	vmul.f32 v6, v2;
	[tilespmem:s3+$0x0] =	vst v8;
	v3 =	vmul.f32 v3, v13;
	v5 =	vadd.f32 v5, v7;
	v7 =	vld [tilespmem:s23+$0xFFFFFF30]  }
0x99: {  	[tilespmem:s3+$0x10] =	vst v9;
	v6 =	vmul.f32 v6, v13;
	v8 =	vadd.f32 v21, v19;
	v9 =	vadd.f32 v12, v15  }
0x9a: {  	v12 =	vbroadcast v25, $0x8;
	v3 =	vadd.f32 v3, v4;
	v4 =	vbroadcast v25, $0x9  }
0x9b: {  	[tilespmem:s3+$0x20] =	vst v1;
	v11 =	vld [tilespmem:s23+$0xFFFFFF10];
	v5 =	vadd.f32 v6, v5;
	v6 =	vbroadcast v25, $0xC;
	v1 =	vmul.f32 v8, v51  }
0x9c: {  	[tilespmem:s3+$0x30] =	vst v2;
	v2 =	vmul.f32 v9, v17;
	v8 =	vmul.f32 v12, v14  }
0x9d: {  	v53 =	vld [tilespmem:s4+$0xFFFFFF70];
	v9 =	vmul.f32 v10, v4;
	v4 =	vmul.f32 v7, v4  }
0x9e: {  	v13 =	vld [tilespmem:s23+$0xFFFFFF50];
	[tilespmem:s3+$0x40] =	vst v1;
	v1 =	vmul.f32 v3, v51;
	v3 =	vbroadcast v25, $0xD  }
0x9f: {  	[tilespmem:s3+$0x50] =	vst v2;
	v2 =	vmul.f32 v5, v17;
	v5 =	vld [tilespmem:s23+$0xFFFFFF40];
	v17 =	vbroadcast v25, $0xF  }
0xa0: {  	v16 =	vld [tilespmem:s23+$0xFFFFFF60];
	v8 =	vadd.f32 v9, v8;
	v9 =	vbroadcast v25, $0xB;
	[tilespmem:s3+$0x60] =	vst v1;
	v1 =	vmul.f32 v11, v12  }
0xa1: {  	v21 =	vld [tilespmem:s4+$0xFFFFFF60];
	[tilespmem:s3+$0x70] =	vst v2;
	v2 =	vmul.f32 v6, v14;
	v10 =	vmul.f32 v10, v3  }
0xa2: {  	v19 =	vld [tilespmem:s23+$0xFFFFFF70];
	v6 =	vmul.f32 v11, v6;
	v11 =	vbroadcast v25, $0xA  }
0xa3: {  	v3 =	vmul.f32 v7, v3;
	v14 =	vbroadcast v25, $0xE;
	v12 =	vld [tilespmem:s4+$0x90]  }
0xa4: {  	v7 =	vld [tilespmem:s23+$0x90];
	v4 =	vadd.f32 v4, v1;
	v1 =	vmul.f32 v5, v11;
	v11 =	vmul.f32 v13, v11  }
0xa5: {  	v15 =	vld [tilespmem:s23+$0xB0];
	v2 =	vadd.f32 v10, v2;
	v3 =	vadd.f32 v3, v6;
	v6 =	vmul.f32 v5, v14  }
0xa6: {  	v26 =	vld [tilespmem:s4+$0xFFFFFF80];
	v14 =	vmul.f32 v13, v14;
	v5 =	vmul.f32 v5, v21;
	v4 =	vadd.f32 v11, v4  }
0xa7: {  	v18 =	vld [tilespmem:s23+$0xD0];
	v11 =	vmul.f32 v16, v9;
	v2 =	vadd.f32 v6, v2;
	v6 =	vmul.f32 v19, v9  }
0xa8: {  	v28 =	vld [tilespmem:s4+$0xFFFFFF90];
	v8 =	vadd.f32 v1, v8;
	v10 =	vbroadcast v12, $0xC;
	v20 =	vbroadcast v12, $0xD  }
0xa9: {  	v1 =	vld [tilespmem:s23+$0xF0];
	v9 =	vmul.f32 v16, v17;
	v14 =	vadd.f32 v14, v3;
	v22 =	vbroadcast v12, $0xE  }
0xaa: {  	v8 =	vadd.f32 v11, v8;
	v23 =	vmul.f32 v7, v10;
	v52 =	vmul.f32 v15, v20  }
0xab: {  	v17 =	vmul.f32 v19, v17;
	v27 =	vbroadcast v12, $0xF;
	v4 =	vadd.f32 v6, v4  }
0xac: {  	v3 =	vld [tilespmem:s4+$0x80];
	[tilespmem:s3+$0xFFFFFF00] =	vst v5;
	v54 =	vmul.f32 v18, v22;
	v5 =	vmul.f32 v8, v26;
	v23 =	vadd.f32 v52, v23  }
0xad: {  	v6 =	vmul.f32 v13, v53;
	v4 =	vmul.f32 v4, v28;
	v8 =	vadd.f32 v17, v14;
	v14 =	vld [tilespmem:s23+$0xA0]  }
0xae: {  	v2 =	vadd.f32 v9, v2;
	v55 =	vmul.f32 v1, v27;
	[tilespmem:s3+$0xFFFFFF40] =	vst v5;
	v23 =	vadd.f32 v54, v23  }
0xaf: {  	v13 =	vmul.f32 v19, v53;
	v5 =	vld [tilespmem:s23+$0x80];
	[tilespmem:s3+$0xFFFFFF50] =	vst v4;
	v4 =	vbroadcast v12, $0x8  }
0xb0: {  	v19 =	vbroadcast v12, $0x9;
	v2 =	vmul.f32 v2, v26;
	v9 =	vadd.f32 v55, v23  }
0xb1: {  	[tilespmem:s3+$0xFFFFFF10] =	vst v6;
	v6 =	vld [tilespmem:s23+$0xC0];
	v8 =	vmul.f32 v8, v28;
	v7 =	vmul.f32 v7, v4  }
0xb2: {  	v17 =	vld [tilespmem:s23+$0xE0];
	[tilespmem:s3+$0xFFFFFF30] =	vst v13;
	v13 =	vmul.f32 v14, v20;
	v11 =	vmul.f32 v9, v3  }
0xb3: {  	[tilespmem:s3+$0xFFFFFF60] =	vst v2;
	v2 =	vld [tilespmem:s4+$0x60];
	v9 =	vmul.f32 v16, v21;
	v16 =	vbroadcast v12, $0xA  }
0xb4: {  	[tilespmem:s3+$0xFFFFFF70] =	vst v8;
	v8 =	vld [tilespmem:s4+$0x50];
	v12 =	vbroadcast v12, $0xB;
	v4 =	vmul.f32 v4, v5  }
0xb5: {  	v5 =	vmul.f32 v10, v5;
	v10 =	vmul.f32 v14, v19;
	[tilespmem:s3+$0xFFFFFF20] =	vst v9  }
0xb6: {  	v21 =	vmul.f32 v6, v16;
	v9 =	vmul.f32 v15, v19;
	v56 =	vld [tilespmem:s4+$0xFFFFFFF0]  }
0xb7: {  	v14 =	vmul.f32 v18, v16;
	v16 =	vmul.f32 v17, v12;
	v4 =	vadd.f32 v10, v4  }
0xb8: {  	v10 =	vmul.f32 v1, v12;
	v12 =	vmul.f32 v17, v27;
	v5 =	vadd.f32 v13, v5;
	v15 =	vld [tilespmem:s23+$0xFFFFFF80]  }
0xb9: {  	v18 =	vmul.f32 v18, v2;
	v57 =	vmul.f32 v17, v8;
	v19 =	vld [tilespmem:s23+$0xFFFFFF90];
	v7 =	vadd.f32 v9, v7  }
0xba: {  	v20 =	vld [tilespmem:s23+$0xFFFFFFA0];
	v9 =	vmul.f32 v6, v22;
	v22 =	vmul.f32 v6, v8;
	v8 =	vadd.f32 v21, v4  }
0xbb: {  	v23 =	vld [tilespmem:s23+$0xFFFFFFB0];
	v6 =	vadd.f32 v14, v7;
	v7 =	vbroadcast v56, $0x8;
	v14 =	vbroadcast v56, $0x9  }
0xbc: {  	v21 =	vadd.f32 v9, v5;
	v17 =	vbroadcast v56, $0xC;
	v58 =	vbroadcast v56, $0xD  }
0xbd: {  	v5 =	vld [tilespmem:s23+$0xFFFFFFC0];
	v13 =	vadd.f32 v16, v8;
	v61 =	vbroadcast v56, $0xA;
	v63 =	vbroadcast v56, $0xE  }
0xbe: {  	v9 =	vadd.f32 v10, v6;
	v6 =	vld [tilespmem:s23+$0xFFFFFFD0];
	v16 =	vbroadcast v56, $0xB;
	v59 =	vmul.f32 v7, v15  }
0xbf: {  	v4 =	vld [tilespmem:s4+$0x70];
	v60 =	vmul.f32 v19, v7;
	v29 =	vmul.f32 v20, v14  }
0xc0: {  	[tilespmem:s3+$0xF0] =	vst v11;
	v11 =	vld [tilespmem:s4+$0xFFFFFFB0];
	v15 =	vmul.f32 v17, v15;
	v14 =	vmul.f32 v23, v14  }
0xc1: {  	v10 =	vadd.f32 v12, v21;
	v7 =	vld [tilespmem:s23+$0xFFFFFFE0];
	v20 =	vmul.f32 v20, v58;
	v19 =	vmul.f32 v19, v17  }
0xc2: {  	v8 =	vld [tilespmem:s23+$0xFFFFFFF0];
	v23 =	vmul.f32 v23, v58;
	v21 =	vadd.f32 v29, v59;
	v62 =	vadd.f32 v14, v60  }
0xc3: {  	[tilespmem:s3+$0x90] =	vst v18;
	v12 =	vld [tilespmem:s4+$0xFFFFFFC0];
	v17 =	vadd.f32 v20, v15;
	v20 =	vmul.f32 v5, v61;
	v26 =	vmul.f32 v6, v61  }
0xc4: {  	[tilespmem:s3+$0x80] =	vst v22;
	v22 =	vmul.f32 v5, v63;
	v14 =	vld [tilespmem:s4+$0xFFFFFFD0];
	v19 =	vadd.f32 v23, v19;
	v23 =	vmul.f32 v6, v63  }
0xc5: {  	s9 =	sadd.s32 $0x2, s9;
	[tilespmem:s3+$0xA0] =	vst v57;
	v15 =	vld [tilespmem:s4+$0xFFFFFFE0];
	s4 =	sadd.s32 $0x140, s4;
	v20 =	vadd.f32 v20, v21;
	v21 =	vbroadcast v56, $0xF;
	v18 =	vadd.f32 v26, v62  }
.LBB2_9:
0xc6: {  	v24 =	vld [tilespmem:s4+$0x0];
	v25 =	vmul.f32 v7, v16;
	v17 =	vadd.f32 v22, v17;
	v19 =	vadd.f32 v23, v19  }
0xc7: {  	v16 =	vmul.f32 v8, v16;
	s23 =	sadd.s32 $0x200, s23;
	v22 =	vld [tilespmem:s4+$0x10];
	v23 =	vmul.f32 v7, v21  }
0xc8: {  	v13 =	vmul.f32 v13, v4;
	v21 =	vmul.f32 v8, v21;
	v26 =	vld [tilespmem:s23+$0x60];
	v20 =	vadd.f32 v25, v20  }
0xc9: {  	v3 =	vmul.f32 v9, v3;
	v16 =	vadd.f32 v16, v18;
	v25 =	vld [tilespmem:s23+$0x40];
	v17 =	vadd.f32 v23, v17  }
0xca: {  	v4 =	vmul.f32 v10, v4;
	v19 =	vadd.f32 v21, v19;
	v9 =	vld [tilespmem:s23+$0x50];
	v18 =	vmul.f32 v20, v14;
	[tilespmem:s3+$0xC0] =	vst v13  }
0xcb: {  	v13 =	vmul.f32 v16, v15;
	v10 =	vld [tilespmem:s23+$0x70];
	v14 =	vmul.f32 v17, v14;
	[tilespmem:s3+$0xD0] =	vst v3  }
0xcc: {  	v5 =	vmul.f32 v5, v11;
	v15 =	vmul.f32 v19, v15;
	v16 =	vld [tilespmem:s4+$0x40];
	[tilespmem:s3+$0xFFFFFFC0] =	vst v18  }
0xcd: {  	v6 =	vmul.f32 v6, v12;
	v7 =	vmul.f32 v7, v11;
	v3 =	vld [tilespmem:s4+$0xFFFFFFA0];
	[tilespmem:s3+$0xFFFFFFD0] =	vst v13  }
0xce: {  	v1 =	vmul.f32 v1, v2;
	v8 =	vmul.f32 v8, v12;
	v11 =	vld [tilespmem:s23+$0xFFFFFF00];
	[tilespmem:s3+$0xFFFFFFE0] =	vst v14  }
0xcf: {  	v12 =	vmul.f32 v25, v24;
	v2 =	vld [tilespmem:s23+$0xFFFFFF10];
	v13 =	vmul.f32 v9, v22;
	[tilespmem:s3+$0xFFFFFFF0] =	vst v15  }
0xd0: {  	v15 =	vmul.f32 v26, v24;
	v14 =	vld [tilespmem:s23+$0x0];
	v17 =	vmul.f32 v10, v22;
	[tilespmem:s3+$0xE0] =	vst v4  }
0xd1: {  	v4 =	vld [tilespmem:s23+$0x10];
	v18 =	vbroadcast v16, $0xB;
	v19 =	vbroadcast v16, $0xF;
	[tilespmem:s3+$0xFFFFFF80] =	vst v5  }
0xd2: {  	v5 =	vbroadcast v16, $0xA;
	v21 =	vbroadcast v16, $0xE;
	v20 =	vld [tilespmem:s23+$0x20];
	[tilespmem:s3+$0xFFFFFF90] =	vst v6  }
0xd3: {  	s9 =	sadd.s32 $0x2, s9;
	v23 =	vbroadcast v16, $0x8;
	v24 =	vbroadcast v16, $0x9;
	v22 =	vld [tilespmem:s23+$0x30];
	[tilespmem:s3+$0xFFFFFFA0] =	vst v7  }
0xd4: {  	p2 =	slt.u32 s9, $0x26;
	v27 =	vbroadcast v16, $0xC;
	v16 =	vbroadcast v16, $0xD;
	v7 =	vld [tilespmem:s23+$0xFFFFFF20];
	[tilespmem:s3+$0xFFFFFFB0] =	vst v8  }
0xd5: {  	v28 =	vmul.f32 v26, v18;
	v18 =	vmul.f32 v10, v18;
	v8 =	vld [tilespmem:s23+$0xFFFFFF30];
	[tilespmem:s3+$0xB0] =	vst v1  }
0xd6: {  	v30 =	vmul.f32 v9, v5;
	v1 =	vmul.f32 v25, v5;
	v29 =	vld [tilespmem:s23+$0xFFFFFF40]  }
0xd7: {  	v32 =	vmul.f32 v23, v14;
	v31 =	vld [tilespmem:s23+$0xFFFFFF50];
	v33 =	vmul.f32 v20, v24  }
0xd8: {  	v23 =	vmul.f32 v4, v23;
	v6 =	vld [tilespmem:s23+$0xFFFFFF60];
	v24 =	vmul.f32 v22, v24  }
0xd9: {  	v14 =	vmul.f32 v27, v14;
	v20 =	vmul.f32 v20, v16;
	v5 =	vld [tilespmem:s23+$0xFFFFFF70];
	v32 =	vadd.f32 v33, v32  }
0xda: {  	v4 =	vmul.f32 v4, v27;
	v16 =	vmul.f32 v22, v16;
	v33 =	vld [tilespmem:s4+$0x20];
	v23 =	vadd.f32 v24, v23  }
0xdb: {  	v14 =	vadd.f32 v20, v14;
	v20 =	vmul.f32 v25, v21;
	v22 =	vld [tilespmem:s4+$0x30];
	v1 =	vadd.f32 v1, v32  }
0xdc: {  	v9 =	vmul.f32 v9, v21;
	s3 =	sadd.s32 $0x200, s3;
	v4 =	vadd.f32 v16, v4;
	v24 =	vld [tilespmem:s4+$0xFFFFFF70];
	v23 =	vadd.f32 v30, v23  }
0xdd: {  	v16 =	vld [tilespmem:s4+$0xFFFFFF80];
	[tilespmem:s3+$0x0] =	vst v12;
	v1 =	vadd.f32 v28, v1;
	v12 =	vadd.f32 v20, v14;
	v14 =	vmul.f32 v26, v19  }
0xde: {  	v4 =	vadd.f32 v9, v4;
	v9 =	vmul.f32 v10, v19;
	v20 =	vld [tilespmem:s4+$0xFFFFFF90];
	[tilespmem:s3+$0x10] =	vst v13;
	v13 =	vadd.f32 v18, v23  }
0xdf: {  	v18 =	vbroadcast v3, $0x8;
	v10 =	vld [tilespmem:s4+$0xFFFFFF60];
	[tilespmem:s3+$0x20] =	vst v15;
	v1 =	vmul.f32 v1, v33;
	v12 =	vadd.f32 v14, v12  }
0xe0: {  	v4 =	vadd.f32 v9, v4;
	v14 =	vbroadcast v3, $0x9;
	[tilespmem:s3+$0x30] =	vst v17;
	v13 =	vmul.f32 v13, v22  }
0xe1: {  	v9 =	vbroadcast v3, $0xC;
	[tilespmem:s3+$0x40] =	vst v1;
	v1 =	vmul.f32 v12, v33  }
0xe2: {  	v4 =	vmul.f32 v4, v22;
	v12 =	vbroadcast v3, $0xD;
	[tilespmem:s3+$0x50] =	vst v13  }
0xe3: {  	v15 =	vmul.f32 v7, v14;
	v13 =	vmul.f32 v18, v11;
	[tilespmem:s3+$0x60] =	vst v1  }
0xe4: {  	v14 =	vmul.f32 v8, v14;
	v1 =	vmul.f32 v2, v18;
	[tilespmem:s3+$0x70] =	vst v4  }
0xe5: {  	v11 =	vmul.f32 v9, v11;
	v7 =	vmul.f32 v7, v12;
	v4 =	vadd.f32 v15, v13;
	v13 =	vld [tilespmem:s4+$0x90]  }
0xe6: {  	v14 =	vadd.f32 v14, v1;
	v1 =	vmul.f32 v2, v9;
	v2 =	vmul.f32 v8, v12;
	v8 =	vld [tilespmem:s23+$0x90]  }
0xe7: {  	v9 =	vbroadcast v3, $0xA;
	v7 =	vadd.f32 v7, v11;
	v11 =	vbroadcast v3, $0xE;
	v12 =	vld [tilespmem:s23+$0xB0]  }
0xe8: {  	v17 =	vbroadcast v3, $0xF;
	v15 =	vbroadcast v3, $0xB;
	v2 =	vadd.f32 v2, v1  }
0xe9: {  	v1 =	vmul.f32 v29, v9;
	v3 =	vmul.f32 v31, v9;
	v9 =	vld [tilespmem:s23+$0xD0]  }
0xea: {  	v18 =	vbroadcast v13, $0xC;
	v19 =	vbroadcast v13, $0xD  }
0xeb: {  	v21 =	vmul.f32 v29, v11;
	v4 =	vadd.f32 v1, v4;
	v22 =	vbroadcast v13, $0xE;
	v1 =	vld [tilespmem:s23+$0xF0]  }
0xec: {  	v14 =	vadd.f32 v3, v14;
	v3 =	vmul.f32 v8, v18;
	v23 =	vmul.f32 v12, v19  }
0xed: {  	v25 =	vmul.f32 v6, v15;
	v11 =	vmul.f32 v31, v11;
	v7 =	vadd.f32 v21, v7  }
0xee: {  	v21 =	vbroadcast v13, $0xF;
	v23 =	vadd.f32 v23, v3;
	v26 =	vmul.f32 v9, v22  }
0xef: {  	v27 =	vmul.f32 v6, v17;
	v15 =	vmul.f32 v5, v15;
	v11 =	vadd.f32 v11, v2;
	v3 =	vld [tilespmem:s4+$0x80]  }
0xf0: {  	v17 =	vmul.f32 v5, v17;
	v28 =	vld [tilespmem:s4+$0x50];
	v23 =	vadd.f32 v26, v23;
	v26 =	vmul.f32 v1, v21  }
0xf1: {  	v29 =	vmul.f32 v29, v10;
	v25 =	vadd.f32 v25, v4;
	v14 =	vadd.f32 v15, v14;
	v2 =	vld [tilespmem:s4+$0x60]  }
0xf2: {  	v15 =	vmul.f32 v31, v24;
	v7 =	vadd.f32 v27, v7;
	v4 =	vld [tilespmem:s4+$0x70];
	v23 =	vadd.f32 v26, v23  }
0xf3: {  	v11 =	vadd.f32 v17, v11;
	v25 =	vmul.f32 v25, v16;
	v14 =	vmul.f32 v14, v20;
	[tilespmem:s3+$0xFFFFFF00] =	vst v29;
	v17 =	vld [tilespmem:s23+$0xE0]  }
0xf4: {  	v7 =	vmul.f32 v7, v16;
	[tilespmem:s3+$0xFFFFFF10] =	vst v15;
	v15 =	vld [tilespmem:s23+$0xC0];
	v16 =	vmul.f32 v23, v3  }
0xf5: {  	v6 =	vmul.f32 v6, v10;
	v10 =	vmul.f32 v11, v20;
	[tilespmem:s3+$0xFFFFFF40] =	vst v25;
	v11 =	vld [tilespmem:s23+$0x80]  }
0xf6: {  	v5 =	vmul.f32 v5, v24;
	v23 =	vbroadcast v13, $0x8;
	v20 =	vld [tilespmem:s23+$0xA0];
	[tilespmem:s3+$0xF0] =	vst v16  }
0xf7: {  	v16 =	vbroadcast v13, $0xA;
	[tilespmem:s3+$0xFFFFFF50] =	vst v14;
	v14 =	vbroadcast v13, $0x9  }
0xf8: {  	v8 =	vmul.f32 v8, v23;
	[tilespmem:s3+$0xFFFFFF60] =	vst v7;
	v7 =	vbroadcast v13, $0xB  }
0xf9: {  	[tilespmem:s3+$0xFFFFFF70] =	vst v10;
	v10 =	vmul.f32 v15, v16;
	v12 =	vmul.f32 v12, v14  }
0xfa: {  	[tilespmem:s3+$0xFFFFFF20] =	vst v6;
	v6 =	vmul.f32 v23, v11;
	v11 =	vmul.f32 v18, v11  }
0xfb: {  	[tilespmem:s3+$0xFFFFFF30] =	vst v5;
	v5 =	vmul.f32 v20, v14;
	v8 =	vadd.f32 v12, v8;
	v12 =	vmul.f32 v20, v19  }
0xfc: {  	v13 =	vmul.f32 v9, v16;
	v14 =	vmul.f32 v15, v22;
	v24 =	vld [tilespmem:s4+$0xFFFFFFF0]  }
0xfd: {  	v16 =	vld [tilespmem:s23+$0xFFFFFF80];
	v5 =	vadd.f32 v5, v6;
	v6 =	vmul.f32 v17, v7;
	v11 =	vadd.f32 v12, v11  }
0xfe: {  	v8 =	vadd.f32 v13, v8;
	v7 =	vmul.f32 v1, v7;
	v12 =	vmul.f32 v17, v21;
	v18 =	vld [tilespmem:s23+$0xFFFFFF90]  }
0xff: {  	v13 =	vmul.f32 v15, v28;
	v19 =	vld [tilespmem:s23+$0xFFFFFFA0];
	v10 =	vadd.f32 v10, v5;
	v11 =	vadd.f32 v14, v11  }
0x100: {  	v15 =	vmul.f32 v9, v2;
	v17 =	vmul.f32 v17, v28;
	v9 =	vadd.f32 v7, v8;
	v14 =	vld [tilespmem:s23+$0xFFFFFFB0]  }
0x101: {  	v5 =	vld [tilespmem:s23+$0xFFFFFFC0];
	v8 =	vbroadcast v24, $0x8;
	v20 =	vbroadcast v24, $0x9;
	[tilespmem:s3+$0x80] =	vst v13;
	v13 =	vadd.f32 v6, v10  }
0x102: {  	v21 =	vbroadcast v24, $0xC;
	v22 =	vbroadcast v24, $0xD;
	v10 =	vadd.f32 v12, v11;
	v6 =	vld [tilespmem:s23+$0xFFFFFFD0];
	[tilespmem:s3+$0x90] =	vst v15  }
0x103: {  	v7 =	vld [tilespmem:s23+$0xFFFFFFE0];
	v15 =	vmul.f32 v8, v16;
	v23 =	vmul.f32 v18, v8;
	[tilespmem:s3+$0xA0] =	vst v17  }
0x104: {  	v25 =	vmul.f32 v21, v16;
	v8 =	vld [tilespmem:s23+$0xFFFFFFF0];
	v17 =	vmul.f32 v19, v20  }
0x105: {  	v19 =	vmul.f32 v19, v22;
	v11 =	vld [tilespmem:s4+$0xFFFFFFB0];
	v16 =	vmul.f32 v14, v20  }
0x106: {  	v18 =	vmul.f32 v18, v21;
	v21 =	vmul.f32 v14, v22;
	v12 =	vld [tilespmem:s4+$0xFFFFFFC0];
	v20 =	vadd.f32 v17, v15  }
.Ltmp6:
0x107: {  	v22 =	vbroadcast v24, $0xA;
	v14 =	vld [tilespmem:s4+$0xFFFFFFD0];
	v26 =	vadd.f32 v16, v23;
	v23 =	vbroadcast v24, $0xE;
	(pc) =	sbr.rel @p2 .LBB2_9-.Ltmp6, $4  }
0x108: {  	v17 =	vadd.f32 v19, v25;
	v16 =	vbroadcast v24, $0xB;
	v19 =	vadd.f32 v21, v18;
	v15 =	vld [tilespmem:s4+$0xFFFFFFE0]  }
0x109: {  	v18 =	vmul.f32 v5, v22;
	v21 =	vmul.f32 v6, v22  }
0x10a: {  	v22 =	vmul.f32 v5, v23;
	v23 =	vmul.f32 v6, v23  }
0x10b: {  	s4 =	sadd.s32 $0x140, s4;
	v20 =	vadd.f32 v18, v20;
	v18 =	vadd.f32 v21, v26;
	v21 =	vbroadcast v24, $0xF  }
0x10c: {  	v13 =	vmul.f32 v13, v4  }
0x10d: {  	v3 =	vmul.f32 v9, v3  }
0x10e: {  	v24 =	vmul.f32 v7, v16;
	v61 =	vmul.f32 v10, v4;
	[tilespmem:s3+$0xC0] =	vst v13  }
0x10f: {  	v17 =	vadd.f32 v22, v17;
	v62 =	vmul.f32 v6, v12;
	v55 =	vmul.f32 v7, v21;
	[tilespmem:s3+$0xD0] =	vst v3  }
0x110: {  	v54 =	vmul.f32 v8, v16;
	v63 =	vmul.f32 v7, v11;
	v20 =	vadd.f32 v24, v20;
	[tilespmem:s3+$0xE0] =	vst v61  }
0x111: {  	v19 =	vadd.f32 v23, v19;
	v1 =	vmul.f32 v1, v2;
	[tilespmem:s3+$0xFFFFFF90] =	vst v62;
	v57 =	vadd.f32 v55, v17  }
0x112: {  	v56 =	vmul.f32 v8, v21;
	v16 =	vadd.f32 v54, v18;
	[tilespmem:s3+$0xFFFFFFA0] =	vst v63;
	v58 =	vmul.f32 v20, v14  }
0x113: {  	[tilespmem:s3+$0xB0] =	vst v1;
	v3 =	vmul.f32 v57, v14  }
0x114: {  	v59 =	vadd.f32 v56, v19;
	v16 =	vmul.f32 v16, v15;
	[tilespmem:s3+$0xFFFFFFC0] =	vst v58  }
.Ltmp7:
0x115: {  	[tilespmem:s3+$0xFFFFFFE0] =	vst v3;
	v3 =	vmul.f32 v5, v11;
	(pc) =	sbr.rel .LBB2_11-.Ltmp7, $4  }
0x116: {  	v60 =	vmul.f32 v59, v15;
	[tilespmem:s3+$0xFFFFFFD0] =	vst v16  }
0x117: {  	[tilespmem:s3+$0xFFFFFF80] =	vst v3;
	v3 =	vmul.f32 v8, v12  }
0x118: {  	[tilespmem:s3+$0xFFFFFFF0] =	vst v60  }
0x119: {  	[tilespmem:s3+$0xFFFFFFB0] =	vst v3  }
.LBB2_5:
0x11a: {  	v1 =	vld [tilespmem:s4+$0x0]  }
0x11b: {  	v2 =	vld [tilespmem:s4+$0x10]  }
0x11c: {  	v3 =	vld [tilespmem:s23+$0x0]  }
0x11d: {  	v4 =	vld [tilespmem:s23+$0x10]  }
0x11e: {  	v5 =	vld [tilespmem:s23+$0x20]  }
0x11f: {  	v6 =	vld [tilespmem:s23+$0x30]  }
0x120: {  	v7 =	vld [tilespmem:s4+$0x40];
	_ =	sdelay $0x2  }
0x121: {  	v8 =	vld [tilespmem:s23+$0x60];
	v10 =	vmul.f32 v3, v1  }
0x122: {  	v12 =	vld [tilespmem:s23+$0x40];
	v11 =	vmul.f32 v4, v2;
	v1 =	vmul.f32 v5, v1  }
0x123: {  	v13 =	vld [tilespmem:s23+$0x50];
	v2 =	vmul.f32 v6, v2;
	v14 =	vbroadcast v7, $0x3  }
0x124: {  	v15 =	vbroadcast v7, $0x7;
	v16 =	vbroadcast v7, $0x2  }
0x125: {  	v17 =	vbroadcast v7, $0x6;
	v18 =	vbroadcast v7, $0x0  }
0x126: {  	v19 =	vbroadcast v7, $0x1;
	v20 =	vbroadcast v7, $0x4  }
0x127: {  	v7 =	vbroadcast v7, $0x5;
	v21 =	vmul.f32 v8, v14  }
0x128: {  	v22 =	vmul.f32 v12, v16;
	v16 =	vmul.f32 v13, v16  }
0x129: {  	v23 =	vmul.f32 v18, v3;
	v24 =	vmul.f32 v5, v19  }
0x12a: {  	v9 =	vld [tilespmem:s23+$0x70];
	v18 =	vmul.f32 v4, v18;
	v19 =	vmul.f32 v6, v19  }
0x12b: {  	v3 =	vmul.f32 v20, v3;
	v5 =	vmul.f32 v5, v7  }
0x12c: {  	v25 =	vld [tilespmem:s4+$0xFFFFFFA0];
	v4 =	vmul.f32 v4, v20;
	v6 =	vmul.f32 v6, v7;
	v23 =	vadd.f32 v24, v23  }
0x12d: {  	v18 =	vadd.f32 v19, v18;
	v3 =	vadd.f32 v5, v3;
	v5 =	vmul.f32 v12, v17  }
0x12e: {  	v7 =	vld [tilespmem:s4+$0x30];
	v4 =	vadd.f32 v6, v4;
	v6 =	vmul.f32 v13, v17;
	v19 =	vadd.f32 v22, v23  }
0x12f: {  	v14 =	vmul.f32 v9, v14;
	v24 =	vld [tilespmem:s4+$0x20];
	v16 =	vadd.f32 v16, v18;
	v3 =	vadd.f32 v5, v3  }
0x130: {  	[tilespmem:s3+$0x0] =	vst v10;
	v5 =	vmul.f32 v8, v15;
	v8 =	vld [tilespmem:s23+$0xFFFFFF20];
	v4 =	vadd.f32 v6, v4;
	v6 =	vmul.f32 v9, v15  }
0x131: {  	[tilespmem:s3+$0x10] =	vst v11;
	v9 =	vld [tilespmem:s23+$0xFFFFFF30];
	v18 =	vbroadcast v25, $0x2;
	v10 =	vadd.f32 v21, v19;
	v11 =	vadd.f32 v14, v16  }
0x132: {  	v12 =	vld [tilespmem:s23+$0xFFFFFF00];
	v14 =	vbroadcast v25, $0x0;
	v3 =	vadd.f32 v5, v3;
	v5 =	vbroadcast v25, $0x1  }
0x133: {  	v13 =	vld [tilespmem:s23+$0xFFFFFF10];
	v4 =	vadd.f32 v6, v4;
	v6 =	vbroadcast v25, $0x4;
	v19 =	vbroadcast v25, $0x6  }
0x134: {  	[tilespmem:s3+$0x30] =	vst v2;
	v21 =	vbroadcast v25, $0x7;
	v2 =	vmul.f32 v11, v7  }
0x135: {  	[tilespmem:s3+$0x20] =	vst v1;
	v1 =	vmul.f32 v10, v24;
	v11 =	vld [tilespmem:s23+$0xFFFFFF50];
	v10 =	vmul.f32 v8, v5  }
0x136: {  	v5 =	vmul.f32 v9, v5;
	[tilespmem:s3+$0x50] =	vst v2;
	v2 =	vmul.f32 v4, v7;
	v4 =	vld [tilespmem:s23+$0xFFFFFF40]  }
0x137: {  	v28 =	vld [tilespmem:s4+$0xFFFFFF70];
	[tilespmem:s3+$0x40] =	vst v1;
	v1 =	vmul.f32 v3, v24;
	v3 =	vbroadcast v25, $0x5  }
0x138: {  	v20 =	vld [tilespmem:s23+$0xFFFFFF60];
	v7 =	vmul.f32 v14, v12;
	v14 =	vmul.f32 v13, v14  }
0x139: {  	v23 =	vld [tilespmem:s23+$0xFFFFFF70];
	[tilespmem:s3+$0x70] =	vst v2;
	v2 =	vmul.f32 v6, v12;
	v15 =	vmul.f32 v8, v3  }
0x13a: {  	[tilespmem:s3+$0x60] =	vst v1;
	v6 =	vmul.f32 v13, v6;
	v7 =	vadd.f32 v10, v7;
	v10 =	vbroadcast v25, $0x3;
	v25 =	vld [tilespmem:s4+$0xFFFFFF60]  }
0x13b: {  	v5 =	vadd.f32 v5, v14;
	v16 =	vld [tilespmem:s4+$0x90];
	v14 =	vmul.f32 v4, v18;
	v18 =	vmul.f32 v11, v18  }
0x13c: {  	v3 =	vmul.f32 v9, v3;
	v2 =	vadd.f32 v15, v2;
	v4 =	vmul.f32 v4, v19  }
0x13d: {  	v9 =	vmul.f32 v9, v28;
	v17 =	vld [tilespmem:s23+$0x90];
	v11 =	vmul.f32 v11, v19;
	v5 =	vadd.f32 v18, v5  }
0x13e: {  	v1 =	vld [tilespmem:s23+$0xB0];
	v18 =	vmul.f32 v20, v10;
	v2 =	vadd.f32 v4, v2;
	v4 =	vmul.f32 v23, v10  }
0x13f: {  	v3 =	vadd.f32 v3, v6;
	v19 =	vld [tilespmem:s4+$0xFFFFFF80];
	v10 =	vmul.f32 v20, v21;
	v20 =	vmul.f32 v23, v21  }
0x140: {  	v30 =	vld [tilespmem:s4+$0xFFFFFF90];
	v7 =	vadd.f32 v14, v7;
	v12 =	vmul.f32 v12, v25;
	v15 =	vbroadcast v16, $0x4  }
0x141: {  	v22 =	vld [tilespmem:s23+$0xD0];
	v11 =	vadd.f32 v11, v3;
	v24 =	vbroadcast v16, $0x5;
	v6 =	vbroadcast v16, $0x6  }
0x142: {  	v14 =	vld [tilespmem:s23+$0xF0];
	v29 =	vbroadcast v16, $0x7;
	v7 =	vadd.f32 v18, v7;
	v4 =	vadd.f32 v4, v5  }
0x143: {  	[tilespmem:s3+$0xFFFFFF30] =	vst v9;
	v5 =	vmul.f32 v13, v28;
	v2 =	vadd.f32 v10, v2;
	v26 =	vmul.f32 v17, v15  }
0x144: {  	[tilespmem:s3+$0xFFFFFF00] =	vst v12;
	v27 =	vmul.f32 v1, v24;
	v7 =	vmul.f32 v7, v19  }
0x145: {  	v3 =	vld [tilespmem:s4+$0x80];
	v11 =	vadd.f32 v20, v11;
	v4 =	vmul.f32 v4, v30;
	[tilespmem:s3+$0xFFFFFF10] =	vst v5;
	v2 =	vmul.f32 v2, v19  }
0x146: {  	v12 =	vld [tilespmem:s23+$0xC0];
	v5 =	vmul.f32 v8, v25;
	v26 =	vadd.f32 v27, v26;
	v27 =	vmul.f32 v22, v6;
	[tilespmem:s3+$0xFFFFFF40] =	vst v7  }
0x147: {  	v13 =	vld [tilespmem:s23+$0xE0];
	v19 =	vbroadcast v16, $0x1;
	v23 =	vmul.f32 v14, v29;
	[tilespmem:s3+$0xFFFFFF50] =	vst v4  }
0x148: {  	v8 =	vld [tilespmem:s23+$0x80];
	v7 =	vmul.f32 v11, v30;
	v4 =	vbroadcast v16, $0x0;
	[tilespmem:s3+$0xFFFFFF60] =	vst v2;
	v21 =	vadd.f32 v27, v26  }
0x149: {  	v20 =	vld [tilespmem:s4+$0x50];
	v11 =	vbroadcast v16, $0x2;
	v16 =	vbroadcast v16, $0x3;
	[tilespmem:s3+$0xFFFFFF20] =	vst v5  }
0x14a: {  	v2 =	vld [tilespmem:s4+$0x60];
	[tilespmem:s3+$0xFFFFFF70] =	vst v7;
	v7 =	vmul.f32 v17, v4;
	v10 =	vadd.f32 v23, v21  }
0x14b: {  	v14 =	vmul.f32 v14, v16;
	v21 =	vmul.f32 v12, v11;
	v26 =	vld [tilespmem:s4+$0xFFFFFFF0]  }
0x14c: {  	v23 =	vmul.f32 v1, v19;
	v18 =	vmul.f32 v10, v3;
	v10 =	vld [tilespmem:s23+$0xA0]  }
0x14d: {  	v4 =	vmul.f32 v4, v8;
	v9 =	vmul.f32 v15, v8  }
0x14e: {  	v11 =	vmul.f32 v22, v11;
	v5 =	vld [tilespmem:s23+$0xFFFFFF80];
	v12 =	vmul.f32 v12, v6  }
0x14f: {  	v6 =	vld [tilespmem:s23+$0xFFFFFF90];
	v22 =	vadd.f32 v23, v7;
	v23 =	vmul.f32 v13, v16;
	v16 =	vmul.f32 v8, v20  }
0x150: {  	v7 =	vld [tilespmem:s23+$0xFFFFFFA0];
	v17 =	vmul.f32 v17, v2;
	v31 =	vbroadcast v26, $0x6  }
0x151: {  	v8 =	vld [tilespmem:s23+$0xFFFFFFB0];
	v15 =	vmul.f32 v10, v19;
	v19 =	vmul.f32 v10, v24  }
0x152: {  	v20 =	vmul.f32 v10, v20;
	v10 =	vbroadcast v26, $0x0  }
0x153: {  	v24 =	vbroadcast v26, $0x5;
	v4 =	vadd.f32 v15, v4;
	v15 =	vmul.f32 v13, v29  }
0x154: {  	v9 =	vadd.f32 v19, v9;
	v19 =	vbroadcast v26, $0x1;
	v25 =	vmul.f32 v10, v5  }
0x155: {  	v27 =	vld [tilespmem:s23+$0xFFFFFFD0];
	v11 =	vadd.f32 v11, v22;
	v60 =	vmul.f32 v6, v10;
	v61 =	vmul.f32 v7, v24  }
0x156: {  	v22 =	vld [tilespmem:s23+$0xFFFFFFC0];
	v24 =	vmul.f32 v8, v24;
	v13 =	vadd.f32 v21, v4;
	v21 =	vbroadcast v26, $0x4  }
0x157: {  	v12 =	vadd.f32 v12, v9;
	v9 =	vadd.f32 v14, v11;
	v11 =	vmul.f32 v7, v19;
	v4 =	vld [tilespmem:s4+$0x70]  }
0x158: {  	v19 =	vmul.f32 v8, v19;
	v14 =	vld [tilespmem:s23+$0xFFFFFFE0];
	[tilespmem:s3+$0xF0] =	vst v18;
	v18 =	vbroadcast v26, $0x3;
	v13 =	vadd.f32 v23, v13  }
0x159: {  	[tilespmem:s3+$0x80] =	vst v16;
	v16 =	vld [tilespmem:s4+$0xFFFFFFD0];
	v23 =	vmul.f32 v21, v5;
	v62 =	vadd.f32 v11, v25;
	v25 =	vbroadcast v26, $0x2  }
0x15a: {  	v10 =	vadd.f32 v15, v12;
	v21 =	vmul.f32 v6, v21;
	v15 =	vld [tilespmem:s23+$0xFFFFFFF0];
	v28 =	vadd.f32 v19, v60  }
0x15b: {  	[tilespmem:s3+$0x90] =	vst v17;
	v17 =	vld [tilespmem:s4+$0xFFFFFFE0];
	v19 =	vadd.f32 v61, v23;
	v23 =	vmul.f32 v22, v25;
	v63 =	vmul.f32 v27, v25  }
0x15c: {  	v11 =	vld [tilespmem:s4+$0xFFFFFFB0];
	v21 =	vadd.f32 v24, v21;
	v24 =	vmul.f32 v22, v31;
	v25 =	vmul.f32 v27, v31  }
0x15d: {  	s9 =	sadd.s32 $0x2, s9;
	[tilespmem:s3+$0xA0] =	vst v20;
	v12 =	vld [tilespmem:s4+$0xFFFFFFC0];
	s4 =	sadd.s32 $0x140, s4;
	v22 =	vadd.f32 v23, v62;
	v20 =	vadd.f32 v63, v28;
	v23 =	vbroadcast v26, $0x7  }
.LBB2_6:
0x15e: {  	v26 =	vld [tilespmem:s4+$0x0];
	v27 =	vmul.f32 v14, v18;
	v19 =	vadd.f32 v24, v19;
	v21 =	vadd.f32 v25, v21  }
0x15f: {  	v18 =	vmul.f32 v15, v18;
	v14 =	vmul.f32 v14, v23;
	s23 =	sadd.s32 $0x200, s23;
	v24 =	vld [tilespmem:s4+$0x10]  }
0x160: {  	v15 =	vmul.f32 v15, v23;
	v13 =	vmul.f32 v13, v4;
	v25 =	vld [tilespmem:s23+$0x0];
	v22 =	vadd.f32 v27, v22  }
0x161: {  	v3 =	vmul.f32 v9, v3;
	v18 =	vadd.f32 v18, v20;
	v14 =	vadd.f32 v14, v19;
	v23 =	vld [tilespmem:s23+$0x10]  }
0x162: {  	v4 =	vmul.f32 v10, v4;
	v15 =	vadd.f32 v15, v21;
	v9 =	vld [tilespmem:s23+$0x20];
	v19 =	vmul.f32 v22, v16;
	[tilespmem:s3+$0xC0] =	vst v13  }
0x163: {  	v13 =	vmul.f32 v18, v17;
	v14 =	vmul.f32 v14, v16;
	v10 =	vld [tilespmem:s23+$0x30];
	[tilespmem:s3+$0xD0] =	vst v3  }
0x164: {  	v5 =	vmul.f32 v5, v11;
	v15 =	vmul.f32 v15, v17;
	v16 =	vld [tilespmem:s4+$0x40];
	[tilespmem:s3+$0xFFFFFFC0] =	vst v19  }
0x165: {  	v6 =	vmul.f32 v6, v12;
	v7 =	vmul.f32 v7, v11;
	v3 =	vld [tilespmem:s4+$0xFFFFFFA0];
	[tilespmem:s3+$0xFFFFFFD0] =	vst v13  }
0x166: {  	v8 =	vmul.f32 v8, v12;
	v1 =	vmul.f32 v1, v2;
	v11 =	vld [tilespmem:s23+$0x60];
	[tilespmem:s3+$0xFFFFFFE0] =	vst v14  }
0x167: {  	v13 =	vmul.f32 v25, v26;
	v14 =	vmul.f32 v23, v24;
	v12 =	vld [tilespmem:s23+$0x70];
	[tilespmem:s3+$0xFFFFFFF0] =	vst v15  }
0x168: {  	v17 =	vmul.f32 v9, v26;
	v15 =	vld [tilespmem:s23+$0x40];
	v18 =	vmul.f32 v10, v24;
	[tilespmem:s3+$0xE0] =	vst v4  }
0x169: {  	v19 =	vld [tilespmem:s23+$0x50];
	v20 =	vbroadcast v16, $0x3;
	v21 =	vbroadcast v16, $0x7;
	[tilespmem:s3+$0xFFFFFF80] =	vst v5  }
0x16a: {  	v22 =	vbroadcast v16, $0x2;
	v24 =	vbroadcast v16, $0x6;
	v2 =	vld [tilespmem:s23+$0xFFFFFF00];
	[tilespmem:s3+$0xFFFFFF90] =	vst v6  }
0x16b: {  	s9 =	sadd.s32 $0x2, s9;
	v26 =	vbroadcast v16, $0x0;
	v27 =	vbroadcast v16, $0x1;
	v4 =	vld [tilespmem:s23+$0xFFFFFF10];
	[tilespmem:s3+$0xFFFFFFA0] =	vst v7  }
0x16c: {  	p2 =	slt.u32 s9, $0x26;
	v7 =	vbroadcast v16, $0x4;
	v16 =	vbroadcast v16, $0x5;
	v5 =	vld [tilespmem:s23+$0xFFFFFF20];
	[tilespmem:s3+$0xFFFFFFB0] =	vst v8  }
0x16d: {  	v8 =	vmul.f32 v11, v20;
	v20 =	vmul.f32 v12, v20;
	v6 =	vld [tilespmem:s23+$0xFFFFFF30];
	[tilespmem:s3+$0xB0] =	vst v1  }
0x16e: {  	v1 =	vmul.f32 v15, v22;
	v28 =	vld [tilespmem:s23+$0xFFFFFF40];
	v22 =	vmul.f32 v19, v22  }
0x16f: {  	v30 =	vmul.f32 v26, v25;
	v31 =	vmul.f32 v9, v27;
	v29 =	vld [tilespmem:s23+$0xFFFFFF50]  }
0x170: {  	v26 =	vmul.f32 v23, v26;
	v27 =	vmul.f32 v10, v27;
	v32 =	vld [tilespmem:s23+$0xFFFFFF60]  }
0x171: {  	v30 =	vadd.f32 v31, v30;
	v25 =	vmul.f32 v7, v25;
	v9 =	vmul.f32 v9, v16;
	v33 =	vld [tilespmem:s23+$0xFFFFFF70]  }
0x172: {  	v26 =	vadd.f32 v27, v26;
	v7 =	vmul.f32 v23, v7;
	v10 =	vmul.f32 v10, v16;
	v31 =	vld [tilespmem:s4+$0x20]  }
0x173: {  	v15 =	vmul.f32 v15, v24;
	v1 =	vadd.f32 v1, v30;
	v9 =	vadd.f32 v9, v25;
	v16 =	vld [tilespmem:s4+$0x30]  }
0x174: {  	s3 =	sadd.s32 $0x200, s3;
	v7 =	vadd.f32 v10, v7;
	v10 =	vmul.f32 v19, v24;
	v22 =	vadd.f32 v22, v26;
	v23 =	vld [tilespmem:s4+$0xFFFFFF70]  }
0x175: {  	v1 =	vadd.f32 v8, v1;
	v8 =	vadd.f32 v15, v9;
	v9 =	vmul.f32 v11, v21;
	v19 =	vld [tilespmem:s4+$0xFFFFFF80];
	[tilespmem:s3+$0x0] =	vst v13  }
0x176: {  	v7 =	vadd.f32 v10, v7;
	v10 =	vmul.f32 v12, v21;
	v13 =	vadd.f32 v20, v22;
	v11 =	vld [tilespmem:s4+$0xFFFFFF90];
	[tilespmem:s3+$0x10] =	vst v14  }
0x177: {  	v8 =	vadd.f32 v9, v8;
	v14 =	vbroadcast v3, $0x0;
	v12 =	vld [tilespmem:s4+$0xFFFFFF60];
	[tilespmem:s3+$0x20] =	vst v17;
	v1 =	vmul.f32 v1, v31  }
0x178: {  	v9 =	vbroadcast v3, $0x1;
	v7 =	vadd.f32 v10, v7;
	[tilespmem:s3+$0x30] =	vst v18;
	v13 =	vmul.f32 v13, v16  }
0x179: {  	v10 =	vbroadcast v3, $0x4;
	[tilespmem:s3+$0x40] =	vst v1;
	v1 =	vmul.f32 v8, v31  }
0x17a: {  	v7 =	vmul.f32 v7, v16;
	v8 =	vbroadcast v3, $0x5;
	[tilespmem:s3+$0x50] =	vst v13  }
0x17b: {  	v15 =	vmul.f32 v5, v9;
	v13 =	vmul.f32 v14, v2;
	[tilespmem:s3+$0x60] =	vst v1  }
0x17c: {  	v9 =	vmul.f32 v6, v9;
	v1 =	vmul.f32 v4, v14;
	[tilespmem:s3+$0x70] =	vst v7  }
0x17d: {  	v14 =	vmul.f32 v5, v8;
	v7 =	vadd.f32 v15, v13;
	v13 =	vmul.f32 v10, v2;
	v15 =	vld [tilespmem:s4+$0x90]  }
0x17e: {  	v8 =	vmul.f32 v6, v8;
	v10 =	vmul.f32 v4, v10;
	v9 =	vadd.f32 v9, v1;
	v16 =	vld [tilespmem:s23+$0x90]  }
0x17f: {  	v17 =	vbroadcast v3, $0x2;
	v13 =	vadd.f32 v14, v13;
	v14 =	vbroadcast v3, $0x6;
	v1 =	vld [tilespmem:s23+$0xB0]  }
0x180: {  	v20 =	vbroadcast v3, $0x7;
	v18 =	vbroadcast v3, $0x3;
	v3 =	vadd.f32 v8, v10  }
0x181: {  	v8 =	vmul.f32 v28, v17;
	v10 =	vmul.f32 v29, v17;
	v17 =	vld [tilespmem:s23+$0xD0]  }
0x182: {  	v21 =	vbroadcast v15, $0x4;
	v22 =	vbroadcast v15, $0x5  }
0x183: {  	v7 =	vadd.f32 v8, v7;
	v8 =	vmul.f32 v28, v14;
	v25 =	vbroadcast v15, $0x6;
	v24 =	vld [tilespmem:s23+$0xF0]  }
0x184: {  	v9 =	vadd.f32 v10, v9;
	v10 =	vmul.f32 v16, v21;
	v26 =	vmul.f32 v1, v22  }
0x185: {  	v27 =	vmul.f32 v32, v18;
	v8 =	vadd.f32 v8, v13;
	v13 =	vmul.f32 v29, v14  }
0x186: {  	v14 =	vbroadcast v15, $0x7;
	v10 =	vadd.f32 v26, v10;
	v26 =	vmul.f32 v17, v25  }
0x187: {  	v18 =	vmul.f32 v33, v18;
	v28 =	vmul.f32 v32, v20;
	v13 =	vadd.f32 v13, v3;
	v3 =	vld [tilespmem:s4+$0x80]  }
0x188: {  	v20 =	vmul.f32 v33, v20;
	v29 =	vld [tilespmem:s4+$0x50];
	v10 =	vadd.f32 v26, v10;
	v26 =	vmul.f32 v24, v14  }
0x189: {  	v30 =	vmul.f32 v2, v12;
	v7 =	vadd.f32 v27, v7;
	v9 =	vadd.f32 v18, v9;
	v2 =	vld [tilespmem:s4+$0x60]  }
0x18a: {  	v18 =	vmul.f32 v4, v23;
	v8 =	vadd.f32 v28, v8;
	v4 =	vld [tilespmem:s4+$0x70];
	v10 =	vadd.f32 v26, v10  }
0x18b: {  	v7 =	vmul.f32 v7, v19;
	v9 =	vmul.f32 v9, v11;
	v13 =	vadd.f32 v20, v13;
	[tilespmem:s3+$0xFFFFFF00] =	vst v30;
	v20 =	vld [tilespmem:s23+$0xE0]  }
0x18c: {  	v8 =	vmul.f32 v8, v19;
	[tilespmem:s3+$0xFFFFFF10] =	vst v18;
	v18 =	vld [tilespmem:s23+$0xC0];
	v10 =	vmul.f32 v10, v3  }
0x18d: {  	v5 =	vmul.f32 v5, v12;
	[tilespmem:s3+$0xFFFFFF40] =	vst v7;
	v7 =	vmul.f32 v13, v11;
	v11 =	vld [tilespmem:s23+$0x80]  }
0x18e: {  	v6 =	vmul.f32 v6, v23;
	v13 =	vbroadcast v15, $0x0;
	v12 =	vld [tilespmem:s23+$0xA0];
	[tilespmem:s3+$0xF0] =	vst v10  }
0x18f: {  	v10 =	vbroadcast v15, $0x2;
	[tilespmem:s3+$0xFFFFFF50] =	vst v9;
	v9 =	vbroadcast v15, $0x1  }
0x190: {  	[tilespmem:s3+$0xFFFFFF60] =	vst v8;
	v8 =	vbroadcast v15, $0x3;
	v15 =	vmul.f32 v16, v13  }
0x191: {  	[tilespmem:s3+$0xFFFFFF70] =	vst v7;
	v19 =	vmul.f32 v18, v10;
	v7 =	vmul.f32 v1, v9  }
0x192: {  	[tilespmem:s3+$0xFFFFFF20] =	vst v5;
	v13 =	vmul.f32 v13, v11;
	v21 =	vmul.f32 v21, v11  }
0x193: {  	[tilespmem:s3+$0xFFFFFF30] =	vst v6;
	v6 =	vmul.f32 v12, v9;
	v7 =	vadd.f32 v7, v15;
	v9 =	vmul.f32 v12, v22  }
0x194: {  	v10 =	vmul.f32 v17, v10;
	v15 =	vmul.f32 v18, v25;
	v23 =	vld [tilespmem:s4+$0xFFFFFFF0]  }
0x195: {  	v17 =	vmul.f32 v20, v8;
	v5 =	vld [tilespmem:s23+$0xFFFFFF80];
	v13 =	vadd.f32 v6, v13;
	v9 =	vadd.f32 v9, v21  }
0x196: {  	v14 =	vmul.f32 v20, v14;
	v18 =	vmul.f32 v24, v8;
	v10 =	vadd.f32 v10, v7;
	v6 =	vld [tilespmem:s23+$0xFFFFFF90]  }
0x197: {  	v11 =	vmul.f32 v11, v29;
	v7 =	vld [tilespmem:s23+$0xFFFFFFA0];
	v13 =	vadd.f32 v19, v13;
	v15 =	vadd.f32 v15, v9  }
0x198: {  	v16 =	vmul.f32 v16, v2;
	v12 =	vmul.f32 v12, v29;
	v9 =	vadd.f32 v18, v10;
	v8 =	vld [tilespmem:s23+$0xFFFFFFB0]  }
0x199: {  	v20 =	vld [tilespmem:s23+$0xFFFFFFC0];
	v18 =	vbroadcast v23, $0x0;
	v19 =	vbroadcast v23, $0x1;
	[tilespmem:s3+$0x80] =	vst v11;
	v13 =	vadd.f32 v17, v13  }
0x19a: {  	v17 =	vbroadcast v23, $0x4;
	v21 =	vbroadcast v23, $0x5;
	v10 =	vadd.f32 v14, v15;
	v22 =	vld [tilespmem:s23+$0xFFFFFFD0];
	[tilespmem:s3+$0x90] =	vst v16  }
0x19b: {  	v14 =	vld [tilespmem:s23+$0xFFFFFFE0];
	v16 =	vmul.f32 v18, v5;
	v18 =	vmul.f32 v6, v18;
	[tilespmem:s3+$0xA0] =	vst v12  }
0x19c: {  	v25 =	vmul.f32 v17, v5;
	v15 =	vld [tilespmem:s23+$0xFFFFFFF0];
	v24 =	vmul.f32 v7, v19  }
0x19d: {  	v26 =	vmul.f32 v7, v21;
	v11 =	vld [tilespmem:s4+$0xFFFFFFB0];
	v19 =	vmul.f32 v8, v19  }
0x19e: {  	v21 =	vmul.f32 v8, v21;
	v12 =	vld [tilespmem:s4+$0xFFFFFFC0];
	v27 =	vadd.f32 v24, v16;
	v24 =	vmul.f32 v6, v17  }
.Ltmp8:
0x19f: {  	v28 =	vbroadcast v23, $0x2;
	v30 =	vbroadcast v23, $0x6;
	v16 =	vld [tilespmem:s4+$0xFFFFFFD0];
	v29 =	vadd.f32 v19, v18;
	(pc) =	sbr.rel @p2 .LBB2_6-.Ltmp8, $4  }
0x1a0: {  	v18 =	vbroadcast v23, $0x3;
	v19 =	vadd.f32 v26, v25;
	v17 =	vld [tilespmem:s4+$0xFFFFFFE0];
	v21 =	vadd.f32 v21, v24  }
0x1a1: {  	v26 =	vmul.f32 v20, v28;
	v28 =	vmul.f32 v22, v28  }
0x1a2: {  	v25 =	vmul.f32 v22, v30;
	v24 =	vmul.f32 v20, v30  }
0x1a3: {  	v23 =	vbroadcast v23, $0x7;
	s4 =	sadd.s32 $0x140, s4;
	v22 =	vadd.f32 v26, v27;
	v20 =	vadd.f32 v28, v29  }
.Ltmp9:
0x1a4: {  	_ = 	snop;
	(pc) =	sbr.rel .LBB2_7-.Ltmp9, $1  }
0x1a5: {  	_ =	sdelay $0x3  }
.LBB2_13:
0x1a6: {  	_ =	sfence.sel $0x180000  }
0x1a7: {  	[bflag:$0x0] =	sbarrier.arrive $0xFFFF  }
0x1a8: {  	_ =	strace $0x90000047  }
0x1a9: {  	s0 =	stileid.u32;
	[bflag:$0x2] =	sbarrier.arrive $0xFFFF  }
0x1aa: {  	p0 =	sne.s32 s0, $0x0;
	s0 =	rddreg [dreg:$0x5]  }
0x1ab: {  	s0 =	sadd.s32 @!p0 $0x100000, s0  }
0x1ac: {  	[sflag:s0] =	ssyncadd.tile.s32 @!p0 $0x1;
	_ =	shalt  }
.Lfunc_end2:
_tile_overlayer_lowered:
.L_overlay_start_2:
0x1ad: {  	(tag) =	ssettag $0x2  }
0x1ae: {  	s0 =	rddreg [dreg:$0x0];
	s2 =	stileid.u32  }
0x1af: {  	s1 =	rddreg [dreg:$0x1];
	p0 =	sne.s32 s2, $0x0  }
0x1b0: {  	s3 =	rddreg [dreg:$0x2];
	[bflag:$0x3] =	sbarrier.arrive $0xFFFF;
	s2 =	simm.s32 @!p0 $0x1C03  }
0x1b1: {  	[timem:s3], [sflag:s2] =	dma.local @!p0 [hbm:s0], s1  }
0x1b2: {  	s0 =	simm.s32 @!p0 $0x3  }
0x1b3: {  	_ =	swait.ge @!p0 [sflag:s0], s1  }
0x1b4: {  	s1 =	ssub.s32 @!p0 $0x0, s1;
	[sflag:s0] =	ssyncset.done @!p0 $0x0  }
0x1b5: {  	[sflag:s0] =	ssyncadd.s32 @!p0 s1  }
0x1b6: {  	[bflag:$0x3] =	sbarrier.arrive $0xFFFF  }
0x1b7: {  	_ =	shalt  }

</sc_bundles>
